<compile_context>
chip_gen: v7x
topology: tpu7x:2x2x1
jax: 0.10.2.dev20260603
libtpu: 0.0.44.dev20260713+nightly
codegen_flags: <defaults>
</compile_context>

<pallas_src>
import functools

import jax
import jax.numpy as jnp
from jax import lax
from jax.experimental import pallas as pl
from jax.experimental.pallas import tpu as pltpu
from jax.experimental.pallas import tpu_sc as plsc

B = 4096
F = 26
ROWS = 100001
D = 64

_INFO = plsc.get_sparse_core_info()
NC = _INFO.num_cores
NS = _INFO.num_subcores
L = _INFO.num_lanes
NW = NC * NS

G = F * D
PER_W = G // NW
RB = 4
UNROLL = 16

_mesh = plsc.VectorSubcoreMesh(core_axis_name="c", subcore_axis_name="s")


@functools.partial(
    pl.kernel,
    mesh=_mesh,
    out_type=jax.ShapeDtypeStruct((G, B), jnp.float32),
    compiler_params=pltpu.CompilerParams(needs_layout_passes=False),
    scratch_types=[
        pltpu.VMEM((ROWS,), jnp.float32),
        pltpu.VMEM((2, B), jnp.int32),
        pltpu.VMEM((RB, B), jnp.float32),
    ],
)
def _emb_lookup(idx_hbm, tab_hbm, out_hbm, row_v, idx_v, res_v):
    wid = lax.axis_index("s") * NC + lax.axis_index("c")
    gbase = wid * PER_W
    f0 = gbase // D
    pltpu.sync_copy(idx_hbm.at[f0], idx_v.at[0])
    pltpu.sync_copy(idx_hbm.at[jnp.minimum(f0 + 1, F - 1)], idx_v.at[1])

    def super_body(t, _):
        g0 = gbase + t * RB
        for u in range(RB):
            g = g0 + u
            pltpu.sync_copy(tab_hbm.at[g], row_v)
            frel = g // D - f0

            def gather_body(i, _):
                for v in range(UNROLL):
                    sl = pl.ds((i * UNROLL + v) * L, L)
                    iv = idx_v[frel, sl]
                    res_v[u, sl] = plsc.load_gather(row_v, [iv])
                return 0

            lax.fori_loop(0, B // (L * UNROLL), gather_body, 0)

        pltpu.sync_copy(res_v, out_hbm.at[pl.ds(g0, RB)])
        return 0

    lax.fori_loop(0, PER_W // RB, super_body, 0)


def kernel(indices, tables):
    idx_t = indices.astype(jnp.int32).T
    tab_soa = tables.transpose(0, 2, 1).reshape(G, ROWS)
    out_soa = _emb_lookup(idx_t, tab_soa)
    return out_soa.reshape(F, D, B).transpose(2, 0, 1)

# --- scband reference (transcript-rebuilt; emitter-appended) ---
"""Pipeline reference for scband-embedding-86028194939251 (READ-ONLY COPY).

The authoritative reference and input builder live on the scoring server;
editing this copy changes nothing except your own understanding.
"""

import jax, jax.numpy as jnp
import numpy as np

B = 4096
F = 26
VOCAB = 100000
ROWS = VOCAB + 1  # numb + 1 per torch module
D = 64


def setup_inputs(seed: int = 0) -> dict:
    key = jax.random.key(seed)
    k_idx, k_tab = jax.random.split(key)
    # forward arg: dict of per-field index tensors flattened to a single [B, F] int tensor
    indices = jax.random.randint(k_idx, (B, F), 0, VOCAB, dtype=jnp.int64)
    # learned params: one embedding table per field, stacked -> [F, ROWS, D]
    # xavier_uniform bound = sqrt(6 / (fan_in + fan_out)) = sqrt(6 / (ROWS + D))
    bound = float(np.sqrt(6.0 / (ROWS + D)))
    tables = jax.random.uniform(k_tab, (F, ROWS, D), dtype=jnp.float32, minval=-bound, maxval=bound)
    return {"indices": indices, "tables": tables}


def reference(indices, tables):
    # For each field f: out[:, f, :] = tables[f][indices[:, f]]  (torch: emb(raw)[:, None, :])
    # then concat along field axis -> [B, F, D]
    field_ids = jnp.arange(F)[None, :]  # [1, F]
    out = tables[field_ids, indices]    # gather -> [B, F, D]
    return out

if __name__ == "__main__":
    import jax
    _d = setup_inputs()
    print(jax.jit(kernel)(*tuple(_d.values())))

</pallas_src>

<mosaic_0001>
#map = affine_map<(d0, d1) -> (0, 0)>
module attributes {stable_mosaic.version = 14 : i64} {
  func.func @_emb_lookup(%arg0: i32, %arg1: i32, %arg2: memref<26x4096xi32, #tpu.memory_space<hbm>>, %arg3: memref<1664x100001xf32, #tpu.memory_space<hbm>>, %arg4: memref<1664x4096xf32, #tpu.memory_space<hbm>>, %arg5: memref<100001xf32, #tpu.memory_space<vmem>>, %arg6: memref<2x4096xi32, #tpu.memory_space<vmem>>, %arg7: memref<4x4096xf32, #tpu.memory_space<vmem>>) attributes {dimension_semantics = [#tpu.dimension_semantics<core_parallel>, #tpu.dimension_semantics<subcore_parallel>], iteration_bounds = array<i64: 2, 16>, scalar_prefetch = 0 : i64, scratch_operands = 3 : i64, tpu.core_type = #tpu.core_type<sc_vector_subcore>, window_params = [{transform_indices = #map}, {transform_indices = #map}, {transform_indices = #map}]} {
    %mul3A = arith.constant 2 : i32
    %mul3A_0 = arith.muli %arg1, %mul3A : i32
    %add3A = arith.addi %mul3A_0, %arg0 : i32
    %mul3A_1 = arith.constant 52 : i32
    %mul3A_2 = arith.muli %add3A, %mul3A_1 : i32
    %jit3A = arith.constant 64 : i32
    %div3A = arith.divsi %mul3A_2, %jit3A : i32
    %sign3A = arith.constant 0 : i32
    %sign3A_3 = arith.cmpi sgt, %mul3A_2, %sign3A : i32
    %sign3A_4 = arith.extui %sign3A_3 : i1 to i32
    %sign3A_5 = arith.constant 0 : i32
    %sign3A_6 = arith.cmpi slt, %mul3A_2, %sign3A_5 : i32
    %sign3A_7 = arith.extui %sign3A_6 : i1 to i32
    %sign3A_8 = arith.subi %sign3A_4, %sign3A_7 : i32
    %sign3A_9 = arith.constant 0 : i32
    %sign3A_10 = arith.cmpi sgt, %jit3A, %sign3A_9 : i32
    %sign3A_11 = arith.extui %sign3A_10 : i1 to i32
    %sign3A_12 = arith.constant 0 : i32
    %sign3A_13 = arith.cmpi slt, %jit3A, %sign3A_12 : i32
    %sign3A_14 = arith.extui %sign3A_13 : i1 to i32
    %sign3A_15 = arith.subi %sign3A_11, %sign3A_14 : i32
    %ne3A = arith.cmpi ne, %sign3A_8, %sign3A_15 : i32
    %rem3A = arith.remsi %mul3A_2, %jit3A : i32
    %ne3A_16 = arith.constant 0 : i32
    %ne3A_17 = arith.cmpi ne, %rem3A, %ne3A_16 : i32
    %and3A = arith.andi %ne3A, %ne3A_17 : i1
    %sub3A = arith.constant 1 : i32
    %sub3A_18 = arith.subi %div3A, %sub3A : i32
    %select_n3A = arith.select %and3A, %sub3A_18, %div3A : i32
    %run_scoped3A = arith.constant 0 : i32
    "tpu.region"() ({
      %run_scoped3A_29 = tpu.sem_alloc : memref<!tpu.dma_semaphore, #tpu.memory_space<semaphore_mem>>
      %dma_start3A = arith.constant 0 : i32
      %dma_start3A_30 = tpu.memref_slice %arg6[%run_scoped3A, %dma_start3A] : memref<2x4096xi32, #tpu.memory_space<vmem>> -> memref<1x4096xi32, #tpu.memory_space<vmem>>
      %dma_start3A_31 = tpu.memref_squeeze %dma_start3A_30 : memref<1x4096xi32, #tpu.memory_space<vmem>> -> memref<4096xi32, #tpu.memory_space<vmem>>
      %dma_start3A_32 = arith.constant 0 : i32
      %dma_start3A_33 = tpu.memref_slice %arg2[%select_n3A, %dma_start3A_32] : memref<26x4096xi32, #tpu.memory_space<hbm>> -> memref<1x4096xi32, #tpu.memory_space<hbm>>
      %dma_start3A_34 = tpu.memref_squeeze %dma_start3A_33 : memref<1x4096xi32, #tpu.memory_space<hbm>> -> memref<4096xi32, #tpu.memory_space<hbm>>
      %dma_start3A_35 = arith.constant 0 : i32
      %dma_start3A_36 = tpu.memref_slice %arg6[%run_scoped3A, %dma_start3A_35] : memref<2x4096xi32, #tpu.memory_space<vmem>> -> memref<1x4096xi32, #tpu.memory_space<vmem>>
      %dma_start3A_37 = tpu.memref_squeeze %dma_start3A_36 : memref<1x4096xi32, #tpu.memory_space<vmem>> -> memref<4096xi32, #tpu.memory_space<vmem>>
      %dma_start3A_38 = arith.constant 0 : i32
      %dma_start3A_39 = tpu.memref_slice %arg2[%select_n3A, %dma_start3A_38] : memref<26x4096xi32, #tpu.memory_space<hbm>> -> memref<1x4096xi32, #tpu.memory_space<hbm>>
      %dma_start3A_40 = tpu.memref_squeeze %dma_start3A_39 : memref<1x4096xi32, #tpu.memory_space<hbm>> -> memref<4096xi32, #tpu.memory_space<hbm>>
      tpu.enqueue_dma source(%dma_start3A_40 : memref<4096xi32, #tpu.memory_space<hbm>>) target(%dma_start3A_37 : memref<4096xi32, #tpu.memory_space<vmem>>) target_semaphore(%run_scoped3A_29 : memref<!tpu.dma_semaphore, #tpu.memory_space<semaphore_mem>>)
      %dma_wait3A = arith.constant 0 : i32
      %dma_wait3A_41 = tpu.memref_slice %arg6[%run_scoped3A, %dma_wait3A] : memref<2x4096xi32, #tpu.memory_space<vmem>> -> memref<1x4096xi32, #tpu.memory_space<vmem>>
      %dma_wait3A_42 = tpu.memref_squeeze %dma_wait3A_41 : memref<1x4096xi32, #tpu.memory_space<vmem>> -> memref<4096xi32, #tpu.memory_space<vmem>>
      %dma_wait3A_43 = arith.constant 0 : i32
      %dma_wait3A_44 = tpu.memref_slice %arg2[%select_n3A, %dma_wait3A_43] : memref<26x4096xi32, #tpu.memory_space<hbm>> -> memref<1x4096xi32, #tpu.memory_space<hbm>>
      %dma_wait3A_45 = tpu.memref_squeeze %dma_wait3A_44 : memref<1x4096xi32, #tpu.memory_space<hbm>> -> memref<4096xi32, #tpu.memory_space<hbm>>
      %dma_wait3A_46 = arith.constant 0 : i32
      %dma_wait3A_47 = tpu.memref_slice %arg6[%run_scoped3A, %dma_wait3A_46] : memref<2x4096xi32, #tpu.memory_space<vmem>> -> memref<1x4096xi32, #tpu.memory_space<vmem>>
      %dma_wait3A_48 = tpu.memref_squeeze %dma_wait3A_47 : memref<1x4096xi32, #tpu.memory_space<vmem>> -> memref<4096xi32, #tpu.memory_space<vmem>>
      %dma_wait3A_49 = arith.constant 0 : i32
      %dma_wait3A_50 = tpu.memref_slice %arg2[%select_n3A, %dma_wait3A_49] : memref<26x4096xi32, #tpu.memory_space<hbm>> -> memref<1x4096xi32, #tpu.memory_space<hbm>>
      %dma_wait3A_51 = tpu.memref_squeeze %dma_wait3A_50 : memref<1x4096xi32, #tpu.memory_space<hbm>> -> memref<4096xi32, #tpu.memory_space<hbm>>
      tpu.wait_dma2 semaphore(%run_scoped3A_29 : memref<!tpu.dma_semaphore, #tpu.memory_space<semaphore_mem>>) src(%dma_wait3A_51 : memref<4096xi32, #tpu.memory_space<hbm>>) dst(%dma_wait3A_48 : memref<4096xi32, #tpu.memory_space<vmem>>)
      tpu.yield
    }) : () -> ()
    %add3A_19 = arith.constant 1 : i32
    %add3A_20 = arith.addi %select_n3A, %add3A_19 : i32
    %min3A = arith.constant 25 : i32
    %min3A_21 = arith.minsi %add3A_20, %min3A : i32
    %run_scoped3A_22 = arith.constant 1 : i32
    "tpu.region"() ({
      %run_scoped3A_29 = tpu.sem_alloc : memref<!tpu.dma_semaphore, #tpu.memory_space<semaphore_mem>>
      %dma_start3A = arith.constant 0 : i32
      %dma_start3A_30 = tpu.memref_slice %arg6[%run_scoped3A_22, %dma_start3A] : memref<2x4096xi32, #tpu.memory_space<vmem>> -> memref<1x4096xi32, #tpu.memory_space<vmem>>
      %dma_start3A_31 = tpu.memref_squeeze %dma_start3A_30 : memref<1x4096xi32, #tpu.memory_space<vmem>> -> memref<4096xi32, #tpu.memory_space<vmem>>
      %dma_start3A_32 = arith.constant 0 : i32
      %dma_start3A_33 = tpu.memref_slice %arg2[%min3A_21, %dma_start3A_32] : memref<26x4096xi32, #tpu.memory_space<hbm>> -> memref<1x4096xi32, #tpu.memory_space<hbm>>
      %dma_start3A_34 = tpu.memref_squeeze %dma_start3A_33 : memref<1x4096xi32, #tpu.memory_space<hbm>> -> memref<4096xi32, #tpu.memory_space<hbm>>
      %dma_start3A_35 = arith.constant 0 : i32
      %dma_start3A_36 = tpu.memref_slice %arg6[%run_scoped3A_22, %dma_start3A_35] : memref<2x4096xi32, #tpu.memory_space<vmem>> -> memref<1x4096xi32, #tpu.memory_space<vmem>>
      %dma_start3A_37 = tpu.memref_squeeze %dma_start3A_36 : memref<1x4096xi32, #tpu.memory_space<vmem>> -> memref<4096xi32, #tpu.memory_space<vmem>>
      %dma_start3A_38 = arith.constant 0 : i32
      %dma_start3A_39 = tpu.memref_slice %arg2[%min3A_21, %dma_start3A_38] : memref<26x4096xi32, #tpu.memory_space<hbm>> -> memref<1x4096xi32, #tpu.memory_space<hbm>>
      %dma_start3A_40 = tpu.memref_squeeze %dma_start3A_39 : memref<1x4096xi32, #tpu.memory_space<hbm>> -> memref<4096xi32, #tpu.memory_space<hbm>>
      tpu.enqueue_dma source(%dma_start3A_40 : memref<4096xi32, #tpu.memory_space<hbm>>) target(%dma_start3A_37 : memref<4096xi32, #tpu.memory_space<vmem>>) target_semaphore(%run_scoped3A_29 : memref<!tpu.dma_semaphore, #tpu.memory_space<semaphore_mem>>)
      %dma_wait3A = arith.constant 0 : i32
      %dma_wait3A_41 = tpu.memref_slice %arg6[%run_scoped3A_22, %dma_wait3A] : memref<2x4096xi32, #tpu.memory_space<vmem>> -> memref<1x4096xi32, #tpu.memory_space<vmem>>
      %dma_wait3A_42 = tpu.memref_squeeze %dma_wait3A_41 : memref<1x4096xi32, #tpu.memory_space<vmem>> -> memref<4096xi32, #tpu.memory_space<vmem>>
      %dma_wait3A_43 = arith.constant 0 : i32
      %dma_wait3A_44 = tpu.memref_slice %arg2[%min3A_21, %dma_wait3A_43] : memref<26x4096xi32, #tpu.memory_space<hbm>> -> memref<1x4096xi32, #tpu.memory_space<hbm>>
      %dma_wait3A_45 = tpu.memref_squeeze %dma_wait3A_44 : memref<1x4096xi32, #tpu.memory_space<hbm>> -> memref<4096xi32, #tpu.memory_space<hbm>>
      %dma_wait3A_46 = arith.constant 0 : i32
      %dma_wait3A_47 = tpu.memref_slice %arg6[%run_scoped3A_22, %dma_wait3A_46] : memref<2x4096xi32, #tpu.memory_space<vmem>> -> memref<1x4096xi32, #tpu.memory_space<vmem>>
      %dma_wait3A_48 = tpu.memref_squeeze %dma_wait3A_47 : memref<1x4096xi32, #tpu.memory_space<vmem>> -> memref<4096xi32, #tpu.memory_space<vmem>>
      %dma_wait3A_49 = arith.constant 0 : i32
      %dma_wait3A_50 = tpu.memref_slice %arg2[%min3A_21, %dma_wait3A_49] : memref<26x4096xi32, #tpu.memory_space<hbm>> -> memref<1x4096xi32, #tpu.memory_space<hbm>>
      %dma_wait3A_51 = tpu.memref_squeeze %dma_wait3A_50 : memref<1x4096xi32, #tpu.memory_space<hbm>> -> memref<4096xi32, #tpu.memory_space<hbm>>
      tpu.wait_dma2 semaphore(%run_scoped3A_29 : memref<!tpu.dma_semaphore, #tpu.memory_space<semaphore_mem>>) src(%dma_wait3A_51 : memref<4096xi32, #tpu.memory_space<hbm>>) dst(%dma_wait3A_48 : memref<4096xi32, #tpu.memory_space<vmem>>)
      tpu.yield
    }) : () -> ()
    %scan3A = arith.constant 0 : i32
    %scan3A_23 = arith.constant 0 : i32
    %scan3A_24 = arith.constant 13 : i32
    %scan3A_25 = arith.addi %scan3A_23, %scan3A_24 : i32
    %scan3A_26 = arith.constant 1 : i32
    %scan3A_27 = scf.for %scan3A_29 = %scan3A_23 to %scan3A_25 step %scan3A_26 iter_args(%scan3A_30 = %scan3A) -> (i32)  : i32 {
      %mul3A_31 = arith.constant 4 : i32
      %mul3A_32 = arith.muli %scan3A_29, %mul3A_31 : i32
      %add3A_33 = arith.addi %mul3A_2, %mul3A_32 : i32
      %add3A_34 = arith.constant 0 : i32
      %add3A_35 = arith.addi %add3A_33, %add3A_34 : i32
      "tpu.region"() ({
        %run_scoped3A_171 = tpu.sem_alloc : memref<!tpu.dma_semaphore, #tpu.memory_space<semaphore_mem>>
        %dma_start3A = arith.constant 0 : i32
        %dma_start3A_172 = tpu.memref_slice %arg3[%add3A_35, %dma_start3A] : memref<1664x100001xf32, #tpu.memory_space<hbm>> -> memref<1x100001xf32, #tpu.memory_space<hbm>>
        %dma_start3A_173 = tpu.memref_squeeze %dma_start3A_172 : memref<1x100001xf32, #tpu.memory_space<hbm>> -> memref<100001xf32, #tpu.memory_space<hbm>>
        %dma_start3A_174 = arith.constant 0 : i32
        %dma_start3A_175 = tpu.memref_slice %arg3[%add3A_35, %dma_start3A_174] : memref<1664x100001xf32, #tpu.memory_space<hbm>> -> memref<1x100001xf32, #tpu.memory_space<hbm>>
        %dma_start3A_176 = tpu.memref_squeeze %dma_start3A_175 : memref<1x100001xf32, #tpu.memory_space<hbm>> -> memref<100001xf32, #tpu.memory_space<hbm>>
        tpu.enqueue_dma source(%dma_start3A_176 : memref<100001xf32, #tpu.memory_space<hbm>>) target(%arg5 : memref<100001xf32, #tpu.memory_space<vmem>>) target_semaphore(%run_scoped3A_171 : memref<!tpu.dma_semaphore, #tpu.memory_space<semaphore_mem>>)
        %dma_wait3A = arith.constant 0 : i32
        %dma_wait3A_177 = tpu.memref_slice %arg3[%add3A_35, %dma_wait3A] : memref<1664x100001xf32, #tpu.memory_space<hbm>> -> memref<1x100001xf32, #tpu.memory_space<hbm>>
        %dma_wait3A_178 = tpu.memref_squeeze %dma_wait3A_177 : memref<1x100001xf32, #tpu.memory_space<hbm>> -> memref<100001xf32, #tpu.memory_space<hbm>>
        %dma_wait3A_179 = arith.constant 0 : i32
        %dma_wait3A_180 = tpu.memref_slice %arg3[%add3A_35, %dma_wait3A_179] : memref<1664x100001xf32, #tpu.memory_space<hbm>> -> memref<1x100001xf32, #tpu.memory_space<hbm>>
        %dma_wait3A_181 = tpu.memref_squeeze %dma_wait3A_180 : memref<1x100001xf32, #tpu.memory_space<hbm>> -> memref<100001xf32, #tpu.memory_space<hbm>>
        tpu.wait_dma2 semaphore(%run_scoped3A_171 : memref<!tpu.dma_semaphore, #tpu.memory_space<semaphore_mem>>) src(%dma_wait3A_181 : memref<100001xf32, #tpu.memory_space<hbm>>) dst(%arg5 : memref<100001xf32, #tpu.memory_space<vmem>>)
        tpu.yield
      }) : () -> ()
      %jit3A_36 = arith.constant 64 : i32
      %div3A_37 = arith.divsi %add3A_35, %jit3A_36 : i32
      %sign3A_38 = arith.constant 0 : i32
      %sign3A_39 = arith.cmpi sgt, %add3A_35, %sign3A_38 : i32
      %sign3A_40 = arith.extui %sign3A_39 : i1 to i32
      %sign3A_41 = arith.constant 0 : i32
      %sign3A_42 = arith.cmpi slt, %add3A_35, %sign3A_41 : i32
      %sign3A_43 = arith.extui %sign3A_42 : i1 to i32
      %sign3A_44 = arith.subi %sign3A_40, %sign3A_43 : i32
      %sign3A_45 = arith.constant 0 : i32
      %sign3A_46 = arith.cmpi sgt, %jit3A_36, %sign3A_45 : i32
      %sign3A_47 = arith.extui %sign3A_46 : i1 to i32
      %sign3A_48 = arith.constant 0 : i32
      %sign3A_49 = arith.cmpi slt, %jit3A_36, %sign3A_48 : i32
      %sign3A_50 = arith.extui %sign3A_49 : i1 to i32
      %sign3A_51 = arith.subi %sign3A_47, %sign3A_50 : i32
      %ne3A_52 = arith.cmpi ne, %sign3A_44, %sign3A_51 : i32
      %rem3A_53 = arith.remsi %add3A_35, %jit3A_36 : i32
      %ne3A_54 = arith.constant 0 : i32
      %ne3A_55 = arith.cmpi ne, %rem3A_53, %ne3A_54 : i32
      %and3A_56 = arith.andi %ne3A_52, %ne3A_55 : i1
      %sub3A_57 = arith.constant 1 : i32
      %sub3A_58 = arith.subi %div3A_37, %sub3A_57 : i32
      %select_n3A_59 = arith.select %and3A_56, %sub3A_58, %div3A_37 : i32
      %sub3A_60 = arith.subi %select_n3A_59, %select_n3A : i32
      %scan3A_61 = arith.constant 0 : i32
      %scan3A_62 = arith.constant 0 : i32
      %scan3A_63 = arith.constant 16 : i32
      %scan3A_64 = arith.addi %scan3A_62, %scan3A_63 : i32
      %scan3A_65 = arith.constant 1 : i32
      %scan3A_66 = scf.for %scan3A_171 = %scan3A_62 to %scan3A_64 step %scan3A_65 iter_args(%scan3A_172 = %scan3A_61) -> (i32)  : i32 {
        %mul3A_173 = arith.constant 16 : i32
        %mul3A_174 = arith.muli %scan3A_171, %mul3A_173 : i32
        %add3A_175 = arith.constant 0 : i32
        %add3A_176 = arith.addi %mul3A_174, %add3A_175 : i32
        %mul3A_177 = arith.constant 16 : i32
        %mul3A_178 = arith.muli %add3A_176, %mul3A_177 : i32
        %get3A = arith.index_cast %sub3A_60 : i32 to index
        %get3A_179 = arith.index_cast %mul3A_178 : i32 to index
        %get3A_180 = tpu.vector_load %arg6[%get3A, %get3A_179] {strides = array<i32>} : memref<2x4096xi32, #tpu.memory_space<vmem>>, vector<16xi32>,
        %gather3A = tpu.vector_load_idx %arg5[%get3A_180] : memref<100001xf32, #tpu.memory_space<vmem>>[vector<16xi32>], vector<16xf32>,
        %swap3A = arith.constant 0 : i32
        %swap3A_181 = arith.index_cast %swap3A : i32 to index
        %swap3A_182 = arith.index_cast %mul3A_178 : i32 to index
        %swap3A_183 = tpu.vector_load %arg7[%swap3A_181, %swap3A_182] {strides = array<i32>} : memref<4x4096xf32, #tpu.memory_space<vmem>>, vector<16xf32>,
        tpu.vector_store %arg7[%swap3A_181, %swap3A_182], %gather3A {strides = array<i32>} : memref<4x4096xf32, #tpu.memory_space<vmem>>, vector<16xf32>,
        %mul3A_184 = arith.constant 16 : i32
        %mul3A_185 = arith.muli %scan3A_171, %mul3A_184 : i32
        %add3A_186 = arith.constant 1 : i32
        %add3A_187 = arith.addi %mul3A_185, %add3A_186 : i32
        %mul3A_188 = arith.constant 16 : i32
        %mul3A_189 = arith.muli %add3A_187, %mul3A_188 : i32
        %get3A_190 = arith.index_cast %sub3A_60 : i32 to index
        %get3A_191 = arith.index_cast %mul3A_189 : i32 to index
        %get3A_192 = tpu.vector_load %arg6[%get3A_190, %get3A_191] {strides = array<i32>} : memref<2x4096xi32, #tpu.memory_space<vmem>>, vector<16xi32>,
        %gather3A_193 = tpu.vector_load_idx %arg5[%get3A_192] : memref<100001xf32, #tpu.memory_space<vmem>>[vector<16xi32>], vector<16xf32>,
        %swap3A_194 = arith.constant 0 : i32
        %swap3A_195 = arith.index_cast %swap3A_194 : i32 to index
        %swap3A_196 = arith.index_cast %mul3A_189 : i32 to index
        %swap3A_197 = tpu.vector_load %arg7[%swap3A_195, %swap3A_196] {strides = array<i32>} : memref<4x4096xf32, #tpu.memory_space<vmem>>, vector<16xf32>,
        tpu.vector_store %arg7[%swap3A_195, %swap3A_196], %gather3A_193 {strides = array<i32>} : memref<4x4096xf32, #tpu.memory_space<vmem>>, vector<16xf32>,
        %mul3A_198 = arith.constant 16 : i32
        %mul3A_199 = arith.muli %scan3A_171, %mul3A_198 : i32
        %add3A_200 = arith.constant 2 : i32
        %add3A_201 = arith.addi %mul3A_199, %add3A_200 : i32
        %mul3A_202 = arith.constant 16 : i32
        %mul3A_203 = arith.muli %add3A_201, %mul3A_202 : i32
        %get3A_204 = arith.index_cast %sub3A_60 : i32 to index
        %get3A_205 = arith.index_cast %mul3A_203 : i32 to index
        %get3A_206 = tpu.vector_load %arg6[%get3A_204, %get3A_205] {strides = array<i32>} : memref<2x4096xi32, #tpu.memory_space<vmem>>, vector<16xi32>,
        %gather3A_207 = tpu.vector_load_idx %arg5[%get3A_206] : memref<100001xf32, #tpu.memory_space<vmem>>[vector<16xi32>], vector<16xf32>,
        %swap3A_208 = arith.constant 0 : i32
        %swap3A_209 = arith.index_cast %swap3A_208 : i32 to index
        %swap3A_210 = arith.index_cast %mul3A_203 : i32 to index
        %swap3A_211 = tpu.vector_load %arg7[%swap3A_209, %swap3A_210] {strides = array<i32>} : memref<4x4096xf32, #tpu.memory_space<vmem>>, vector<16xf32>,
        tpu.vector_store %arg7[%swap3A_209, %swap3A_210], %gather3A_207 {strides = array<i32>} : memref<4x4096xf32, #tpu.memory_space<vmem>>, vector<16xf32>,
        %mul3A_212 = arith.constant 16 : i32
        %mul3A_213 = arith.muli %scan3A_171, %mul3A_212 : i32
        %add3A_214 = arith.constant 3 : i32
        %add3A_215 = arith.addi %mul3A_213, %add3A_214 : i32
        %mul3A_216 = arith.constant 16 : i32
        %mul3A_217 = arith.muli %add3A_215, %mul3A_216 : i32
        %get3A_218 = arith.index_cast %sub3A_60 : i32 to index
        %get3A_219 = arith.index_cast %mul3A_217 : i32 to index
        %get3A_220 = tpu.vector_load %arg6[%get3A_218, %get3A_219] {strides = array<i32>} : memref<2x4096xi32, #tpu.memory_space<vmem>>, vector<16xi32>,
        %gather3A_221 = tpu.vector_load_idx %arg5[%get3A_220] : memref<100001xf32, #tpu.memory_space<vmem>>[vector<16xi32>], vector<16xf32>,
        %swap3A_222 = arith.constant 0 : i32
        %swap3A_223 = arith.index_cast %swap3A_222 : i32 to index
        %swap3A_224 = arith.index_cast %mul3A_217 : i32 to index
        %swap3A_225 = tpu.vector_load %arg7[%swap3A_223, %swap3A_224] {strides = array<i32>} : memref<4x4096xf32, #tpu.memory_space<vmem>>, vector<16xf32>,
        tpu.vector_store %arg7[%swap3A_223, %swap3A_224], %gather3A_221 {strides = array<i32>} : memref<4x4096xf32, #tpu.memory_space<vmem>>, vector<16xf32>,
        %mul3A_226 = arith.constant 16 : i32
        %mul3A_227 = arith.muli %scan3A_171, %mul3A_226 : i32
        %add3A_228 = arith.constant 4 : i32
        %add3A_229 = arith.addi %mul3A_227, %add3A_228 : i32
        %mul3A_230 = arith.constant 16 : i32
        %mul3A_231 = arith.muli %add3A_229, %mul3A_230 : i32
        %get3A_232 = arith.index_cast %sub3A_60 : i32 to index
        %get3A_233 = arith.index_cast %mul3A_231 : i32 to index
        %get3A_234 = tpu.vector_load %arg6[%get3A_232, %get3A_233] {strides = array<i32>} : memref<2x4096xi32, #tpu.memory_space<vmem>>, vector<16xi32>,
        %gather3A_235 = tpu.vector_load_idx %arg5[%get3A_234] : memref<100001xf32, #tpu.memory_space<vmem>>[vector<16xi32>], vector<16xf32>,
        %swap3A_236 = arith.constant 0 : i32
        %swap3A_237 = arith.index_cast %swap3A_236 : i32 to index
        %swap3A_238 = arith.index_cast %mul3A_231 : i32 to index
        %swap3A_239 = tpu.vector_load %arg7[%swap3A_237, %swap3A_238] {strides = array<i32>} : memref<4x4096xf32, #tpu.memory_space<vmem>>, vector<16xf32>,
        tpu.vector_store %arg7[%swap3A_237, %swap3A_238], %gather3A_235 {strides = array<i32>} : memref<4x4096xf32, #tpu.memory_space<vmem>>, vector<16xf32>,
        %mul3A_240 = arith.constant 16 : i32
        %mul3A_241 = arith.muli %scan3A_171, %mul3A_240 : i32
        %add3A_242 = arith.constant 5 : i32
        %add3A_243 = arith.addi %mul3A_241, %add3A_242 : i32
        %mul3A_244 = arith.constant 16 : i32
        %mul3A_245 = arith.muli %add3A_243, %mul3A_244 : i32
        %get3A_246 = arith.index_cast %sub3A_60 : i32 to index
        %get3A_247 = arith.index_cast %mul3A_245 : i32 to index
        %get3A_248 = tpu.vector_load %arg6[%get3A_246, %get3A_247] {strides = array<i32>} : memref<2x4096xi32, #tpu.memory_space<vmem>>, vector<16xi32>,
        %gather3A_249 = tpu.vector_load_idx %arg5[%get3A_248] : memref<100001xf32, #tpu.memory_space<vmem>>[vector<16xi32>], vector<16xf32>,
        %swap3A_250 = arith.constant 0 : i32
        %swap3A_251 = arith.index_cast %swap3A_250 : i32 to index
        %swap3A_252 = arith.index_cast %mul3A_245 : i32 to index
        %swap3A_253 = tpu.vector_load %arg7[%swap3A_251, %swap3A_252] {strides = array<i32>} : memref<4x4096xf32, #tpu.memory_space<vmem>>, vector<16xf32>,
        tpu.vector_store %arg7[%swap3A_251, %swap3A_252], %gather3A_249 {strides = array<i32>} : memref<4x4096xf32, #tpu.memory_space<vmem>>, vector<16xf32>,
        %mul3A_254 = arith.constant 16 : i32
        %mul3A_255 = arith.muli %scan3A_171, %mul3A_254 : i32
        %add3A_256 = arith.constant 6 : i32
        %add3A_257 = arith.addi %mul3A_255, %add3A_256 : i32
        %mul3A_258 = arith.constant 16 : i32
        %mul3A_259 = arith.muli %add3A_257, %mul3A_258 : i32
        %get3A_260 = arith.index_cast %sub3A_60 : i32 to index
        %get3A_261 = arith.index_cast %mul3A_259 : i32 to index
        %get3A_262 = tpu.vector_load %arg6[%get3A_260, %get3A_261] {strides = array<i32>} : memref<2x4096xi32, #tpu.memory_space<vmem>>, vector<16xi32>,
        %gather3A_263 = tpu.vector_load_idx %arg5[%get3A_262] : memref<100001xf32, #tpu.memory_space<vmem>>[vector<16xi32>], vector<16xf32>,
        %swap3A_264 = arith.constant 0 : i32
        %swap3A_265 = arith.index_cast %swap3A_264 : i32 to index
        %swap3A_266 = arith.index_cast %mul3A_259 : i32 to index
        %swap3A_267 = tpu.vector_load %arg7[%swap3A_265, %swap3A_266] {strides = array<i32>} : memref<4x4096xf32, #tpu.memory_space<vmem>>, vector<16xf32>,
        tpu.vector_store %arg7[%swap3A_265, %swap3A_266], %gather3A_263 {strides = array<i32>} : memref<4x4096xf32, #tpu.memory_space<vmem>>, vector<16xf32>,
        %mul3A_268 = arith.constant 16 : i32
        %mul3A_269 = arith.muli %scan3A_171, %mul3A_268 : i32
        %add3A_270 = arith.constant 7 : i32
        %add3A_271 = arith.addi %mul3A_269, %add3A_270 : i32
        %mul3A_272 = arith.constant 16 : i32
        %mul3A_273 = arith.muli %add3A_271, %mul3A_272 : i32
        %get3A_274 = arith.index_cast %sub3A_60 : i32 to index
        %get3A_275 = arith.index_cast %mul3A_273 : i32 to index
        %get3A_276 = tpu.vector_load %arg6[%get3A_274, %get3A_275] {strides = array<i32>} : memref<2x4096xi32, #tpu.memory_space<vmem>>, vector<16xi32>,
        %gather3A_277 = tpu.vector_load_idx %arg5[%get3A_276] : memref<100001xf32, #tpu.memory_space<vmem>>[vector<16xi32>], vector<16xf32>,
        %swap3A_278 = arith.constant 0 : i32
        %swap3A_279 = arith.index_cast %swap3A_278 : i32 to index
        %swap3A_280 = arith.index_cast %mul3A_273 : i32 to index
        %swap3A_281 = tpu.vector_load %arg7[%swap3A_279, %swap3A_280] {strides = array<i32>} : memref<4x4096xf32, #tpu.memory_space<vmem>>, vector<16xf32>,
        tpu.vector_store %arg7[%swap3A_279, %swap3A_280], %gather3A_277 {strides = array<i32>} : memref<4x4096xf32, #tpu.memory_space<vmem>>, vector<16xf32>,
        %mul3A_282 = arith.constant 16 : i32
        %mul3A_283 = arith.muli %scan3A_171, %mul3A_282 : i32
        %add3A_284 = arith.constant 8 : i32
        %add3A_285 = arith.addi %mul3A_283, %add3A_284 : i32
        %mul3A_286 = arith.constant 16 : i32
        %mul3A_287 = arith.muli %add3A_285, %mul3A_286 : i32
        %get3A_288 = arith.index_cast %sub3A_60 : i32 to index
        %get3A_289 = arith.index_cast %mul3A_287 : i32 to index
        %get3A_290 = tpu.vector_load %arg6[%get3A_288, %get3A_289] {strides = array<i32>} : memref<2x4096xi32, #tpu.memory_space<vmem>>, vector<16xi32>,
        %gather3A_291 = tpu.vector_load_idx %arg5[%get3A_290] : memref<100001xf32, #tpu.memory_space<vmem>>[vector<16xi32>], vector<16xf32>,
        %swap3A_292 = arith.constant 0 : i32
        %swap3A_293 = arith.index_cast %swap3A_292 : i32 to index
        %swap3A_294 = arith.index_cast %mul3A_287 : i32 to index
        %swap3A_295 = tpu.vector_load %arg7[%swap3A_293, %swap3A_294] {strides = array<i32>} : memref<4x4096xf32, #tpu.memory_space<vmem>>, vector<16xf32>,
        tpu.vector_store %arg7[%swap3A_293, %swap3A_294], %gather3A_291 {strides = array<i32>} : memref<4x4096xf32, #tpu.memory_space<vmem>>, vector<16xf32>,
        %mul3A_296 = arith.constant 16 : i32
        %mul3A_297 = arith.muli %scan3A_171, %mul3A_296 : i32
        %add3A_298 = arith.constant 9 : i32
        %add3A_299 = arith.addi %mul3A_297, %add3A_298 : i32
        %mul3A_300 = arith.constant 16 : i32
        %mul3A_301 = arith.muli %add3A_299, %mul3A_300 : i32
        %get3A_302 = arith.index_cast %sub3A_60 : i32 to index
        %get3A_303 = arith.index_cast %mul3A_301 : i32 to index
        %get3A_304 = tpu.vector_load %arg6[%get3A_302, %get3A_303] {strides = array<i32>} : memref<2x4096xi32, #tpu.memory_space<vmem>>, vector<16xi32>,
        %gather3A_305 = tpu.vector_load_idx %arg5[%get3A_304] : memref<100001xf32, #tpu.memory_space<vmem>>[vector<16xi32>], vector<16xf32>,
        %swap3A_306 = arith.constant 0 : i32
        %swap3A_307 = arith.index_cast %swap3A_306 : i32 to index
        %swap3A_308 = arith.index_cast %mul3A_301 : i32 to index
        %swap3A_309 = tpu.vector_load %arg7[%swap3A_307, %swap3A_308] {strides = array<i32>} : memref<4x4096xf32, #tpu.memory_space<vmem>>, vector<16xf32>,
        tpu.vector_store %arg7[%swap3A_307, %swap3A_308], %gather3A_305 {strides = array<i32>} : memref<4x4096xf32, #tpu.memory_space<vmem>>, vector<16xf32>,
        %mul3A_310 = arith.constant 16 : i32
        %mul3A_311 = arith.muli %scan3A_171, %mul3A_310 : i32
        %add3A_312 = arith.constant 10 : i32
        %add3A_313 = arith.addi %mul3A_311, %add3A_312 : i32
        %mul3A_314 = arith.constant 16 : i32
        %mul3A_315 = arith.muli %add3A_313, %mul3A_314 : i32
        %get3A_316 = arith.index_cast %sub3A_60 : i32 to index
        %get3A_317 = arith.index_cast %mul3A_315 : i32 to index
        %get3A_318 = tpu.vector_load %arg6[%get3A_316, %get3A_317] {strides = array<i32>} : memref<2x4096xi32, #tpu.memory_space<vmem>>, vector<16xi32>,
        %gather3A_319 = tpu.vector_load_idx %arg5[%get3A_318] : memref<100001xf32, #tpu.memory_space<vmem>>[vector<16xi32>], vector<16xf32>,
        %swap3A_320 = arith.constant 0 : i32
        %swap3A_321 = arith.index_cast %swap3A_320 : i32 to index
        %swap3A_322 = arith.index_cast %mul3A_315 : i32 to index
        %swap3A_323 = tpu.vector_load %arg7[%swap3A_321, %swap3A_322] {strides = array<i32>} : memref<4x4096xf32, #tpu.memory_space<vmem>>, vector<16xf32>,
        tpu.vector_store %arg7[%swap3A_321, %swap3A_322], %gather3A_319 {strides = array<i32>} : memref<4x4096xf32, #tpu.memory_space<vmem>>, vector<16xf32>,
        %mul3A_324 = arith.constant 16 : i32
        %mul3A_325 = arith.muli %scan3A_171, %mul3A_324 : i32
        %add3A_326 = arith.constant 11 : i32
        %add3A_327 = arith.addi %mul3A_325, %add3A_326 : i32
        %mul3A_328 = arith.constant 16 : i32
        %mul3A_329 = arith.muli %add3A_327, %mul3A_328 : i32
        %get3A_330 = arith.index_cast %sub3A_60 : i32 to index
        %get3A_331 = arith.index_cast %mul3A_329 : i32 to index
        %get3A_332 = tpu.vector_load %arg6[%get3A_330, %get3A_331] {strides = array<i32>} : memref<2x4096xi32, #tpu.memory_space<vmem>>, vector<16xi32>,
        %gather3A_333 = tpu.vector_load_idx %arg5[%get3A_332] : memref<100001xf32, #tpu.memory_space<vmem>>[vector<16xi32>], vector<16xf32>,
        %swap3A_334 = arith.constant 0 : i32
        %swap3A_335 = arith.index_cast %swap3A_334 : i32 to index
        %swap3A_336 = arith.index_cast %mul3A_329 : i32 to index
        %swap3A_337 = tpu.vector_load %arg7[%swap3A_335, %swap3A_336] {strides = array<i32>} : memref<4x4096xf32, #tpu.memory_space<vmem>>, vector<16xf32>,
        tpu.vector_store %arg7[%swap3A_335, %swap3A_336], %gather3A_333 {strides = array<i32>} : memref<4x4096xf32, #tpu.memory_space<vmem>>, vector<16xf32>,
        %mul3A_338 = arith.constant 16 : i32
        %mul3A_339 = arith.muli %scan3A_171, %mul3A_338 : i32
        %add3A_340 = arith.constant 12 : i32
        %add3A_341 = arith.addi %mul3A_339, %add3A_340 : i32
        %mul3A_342 = arith.constant 16 : i32
        %mul3A_343 = arith.muli %add3A_341, %mul3A_342 : i32
        %get3A_344 = arith.index_cast %sub3A_60 : i32 to index
        %get3A_345 = arith.index_cast %mul3A_343 : i32 to index
        %get3A_346 = tpu.vector_load %arg6[%get3A_344, %get3A_345] {strides = array<i32>} : memref<2x4096xi32, #tpu.memory_space<vmem>>, vector<16xi32>,
        %gather3A_347 = tpu.vector_load_idx %arg5[%get3A_346] : memref<100001xf32, #tpu.memory_space<vmem>>[vector<16xi32>], vector<16xf32>,
        %swap3A_348 = arith.constant 0 : i32
        %swap3A_349 = arith.index_cast %swap3A_348 : i32 to index
        %swap3A_350 = arith.index_cast %mul3A_343 : i32 to index
        %swap3A_351 = tpu.vector_load %arg7[%swap3A_349, %swap3A_350] {strides = array<i32>} : memref<4x4096xf32, #tpu.memory_space<vmem>>, vector<16xf32>,
        tpu.vector_store %arg7[%swap3A_349, %swap3A_350], %gather3A_347 {strides = array<i32>} : memref<4x4096xf32, #tpu.memory_space<vmem>>, vector<16xf32>,
        %mul3A_352 = arith.constant 16 : i32
        %mul3A_353 = arith.muli %scan3A_171, %mul3A_352 : i32
        %add3A_354 = arith.constant 13 : i32
        %add3A_355 = arith.addi %mul3A_353, %add3A_354 : i32
        %mul3A_356 = arith.constant 16 : i32
        %mul3A_357 = arith.muli %add3A_355, %mul3A_356 : i32
        %get3A_358 = arith.index_cast %sub3A_60 : i32 to index
        %get3A_359 = arith.index_cast %mul3A_357 : i32 to index
        %get3A_360 = tpu.vector_load %arg6[%get3A_358, %get3A_359] {strides = array<i32>} : memref<2x4096xi32, #tpu.memory_space<vmem>>, vector<16xi32>,
        %gather3A_361 = tpu.vector_load_idx %arg5[%get3A_360] : memref<100001xf32, #tpu.memory_space<vmem>>[vector<16xi32>], vector<16xf32>,
        %swap3A_362 = arith.constant 0 : i32
        %swap3A_363 = arith.index_cast %swap3A_362 : i32 to index
        %swap3A_364 = arith.index_cast %mul3A_357 : i32 to index
        %swap3A_365 = tpu.vector_load %arg7[%swap3A_363, %swap3A_364] {strides = array<i32>} : memref<4x4096xf32, #tpu.memory_space<vmem>>, vector<16xf32>,
        tpu.vector_store %arg7[%swap3A_363, %swap3A_364], %gather3A_361 {strides = array<i32>} : memref<4x4096xf32, #tpu.memory_space<vmem>>, vector<16xf32>,
        %mul3A_366 = arith.constant 16 : i32
        %mul3A_367 = arith.muli %scan3A_171, %mul3A_366 : i32
        %add3A_368 = arith.constant 14 : i32
        %add3A_369 = arith.addi %mul3A_367, %add3A_368 : i32
        %mul3A_370 = arith.constant 16 : i32
        %mul3A_371 = arith.muli %add3A_369, %mul3A_370 : i32
        %get3A_372 = arith.index_cast %sub3A_60 : i32 to index
        %get3A_373 = arith.index_cast %mul3A_371 : i32 to index
        %get3A_374 = tpu.vector_load %arg6[%get3A_372, %get3A_373] {strides = array<i32>} : memref<2x4096xi32, #tpu.memory_space<vmem>>, vector<16xi32>,
        %gather3A_375 = tpu.vector_load_idx %arg5[%get3A_374] : memref<100001xf32, #tpu.memory_space<vmem>>[vector<16xi32>], vector<16xf32>,
        %swap3A_376 = arith.constant 0 : i32
        %swap3A_377 = arith.index_cast %swap3A_376 : i32 to index
        %swap3A_378 = arith.index_cast %mul3A_371 : i32 to index
        %swap3A_379 = tpu.vector_load %arg7[%swap3A_377, %swap3A_378] {strides = array<i32>} : memref<4x4096xf32, #tpu.memory_space<vmem>>, vector<16xf32>,
        tpu.vector_store %arg7[%swap3A_377, %swap3A_378], %gather3A_375 {strides = array<i32>} : memref<4x4096xf32, #tpu.memory_space<vmem>>, vector<16xf32>,
        %mul3A_380 = arith.constant 16 : i32
        %mul3A_381 = arith.muli %scan3A_171, %mul3A_380 : i32
        %add3A_382 = arith.constant 15 : i32
        %add3A_383 = arith.addi %mul3A_381, %add3A_382 : i32
        %mul3A_384 = arith.constant 16 : i32
        %mul3A_385 = arith.muli %add3A_383, %mul3A_384 : i32
        %get3A_386 = arith.index_cast %sub3A_60 : i32 to index
        %get3A_387 = arith.index_cast %mul3A_385 : i32 to index
        %get3A_388 = tpu.vector_load %arg6[%get3A_386, %get3A_387] {strides = array<i32>} : memref<2x4096xi32, #tpu.memory_space<vmem>>, vector<16xi32>,
        %gather3A_389 = tpu.vector_load_idx %arg5[%get3A_388] : memref<100001xf32, #tpu.memory_space<vmem>>[vector<16xi32>], vector<16xf32>,
        %swap3A_390 = arith.constant 0 : i32
        %swap3A_391 = arith.index_cast %swap3A_390 : i32 to index
        %swap3A_392 = arith.index_cast %mul3A_385 : i32 to index
        %swap3A_393 = tpu.vector_load %arg7[%swap3A_391, %swap3A_392] {strides = array<i32>} : memref<4x4096xf32, #tpu.memory_space<vmem>>, vector<16xf32>,
        tpu.vector_store %arg7[%swap3A_391, %swap3A_392], %gather3A_389 {strides = array<i32>} : memref<4x4096xf32, #tpu.memory_space<vmem>>, vector<16xf32>,
        %scan3A_394 = arith.constant 0 : i32
        scf.yield %scan3A_394 : i32
      }
      %scan3A_67 = arith.constant 16 : i32
      %add3A_68 = arith.constant 1 : i32
      %add3A_69 = arith.addi %add3A_33, %add3A_68 : i32
      "tpu.region"() ({
        %run_scoped3A_171 = tpu.sem_alloc : memref<!tpu.dma_semaphore, #tpu.memory_space<semaphore_mem>>
        %dma_start3A = arith.constant 0 : i32
        %dma_start3A_172 = tpu.memref_slice %arg3[%add3A_69, %dma_start3A] : memref<1664x100001xf32, #tpu.memory_space<hbm>> -> memref<1x100001xf32, #tpu.memory_space<hbm>>
        %dma_start3A_173 = tpu.memref_squeeze %dma_start3A_172 : memref<1x100001xf32, #tpu.memory_space<hbm>> -> memref<100001xf32, #tpu.memory_space<hbm>>
        %dma_start3A_174 = arith.constant 0 : i32
        %dma_start3A_175 = tpu.memref_slice %arg3[%add3A_69, %dma_start3A_174] : memref<1664x100001xf32, #tpu.memory_space<hbm>> -> memref<1x100001xf32, #tpu.memory_space<hbm>>
        %dma_start3A_176 = tpu.memref_squeeze %dma_start3A_175 : memref<1x100001xf32, #tpu.memory_space<hbm>> -> memref<100001xf32, #tpu.memory_space<hbm>>
        tpu.enqueue_dma source(%dma_start3A_176 : memref<100001xf32, #tpu.memory_space<hbm>>) target(%arg5 : memref<100001xf32, #tpu.memory_space<vmem>>) target_semaphore(%run_scoped3A_171 : memref<!tpu.dma_semaphore, #tpu.memory_space<semaphore_mem>>)
        %dma_wait3A = arith.constant 0 : i32
        %dma_wait3A_177 = tpu.memref_slice %arg3[%add3A_69, %dma_wait3A] : memref<1664x100001xf32, #tpu.memory_space<hbm>> -> memref<1x100001xf32, #tpu.memory_space<hbm>>
        %dma_wait3A_178 = tpu.memref_squeeze %dma_wait3A_177 : memref<1x100001xf32, #tpu.memory_space<hbm>> -> memref<100001xf32, #tpu.memory_space<hbm>>
        %dma_wait3A_179 = arith.constant 0 : i32
        %dma_wait3A_180 = tpu.memref_slice %arg3[%add3A_69, %dma_wait3A_179] : memref<1664x100001xf32, #tpu.memory_space<hbm>> -> memref<1x100001xf32, #tpu.memory_space<hbm>>
        %dma_wait3A_181 = tpu.memref_squeeze %dma_wait3A_180 : memref<1x100001xf32, #tpu.memory_space<hbm>> -> memref<100001xf32, #tpu.memory_space<hbm>>
        tpu.wait_dma2 semaphore(%run_scoped3A_171 : memref<!tpu.dma_semaphore, #tpu.memory_space<semaphore_mem>>) src(%dma_wait3A_181 : memref<100001xf32, #tpu.memory_space<hbm>>) dst(%arg5 : memref<100001xf32, #tpu.memory_space<vmem>>)
        tpu.yield
      }) : () -> ()
      %jit3A_70 = arith.constant 64 : i32
      %div3A_71 = arith.divsi %add3A_69, %jit3A_70 : i32
      %sign3A_72 = arith.constant 0 : i32
      %sign3A_73 = arith.cmpi sgt, %add3A_69, %sign3A_72 : i32
      %sign3A_74 = arith.extui %sign3A_73 : i1 to i32
      %sign3A_75 = arith.constant 0 : i32
      %sign3A_76 = arith.cmpi slt, %add3A_69, %sign3A_75 : i32
      %sign3A_77 = arith.extui %sign3A_76 : i1 to i32
      %sign3A_78 = arith.subi %sign3A_74, %sign3A_77 : i32
      %sign3A_79 = arith.constant 0 : i32
      %sign3A_80 = arith.cmpi sgt, %jit3A_70, %sign3A_79 : i32
      %sign3A_81 = arith.extui %sign3A_80 : i1 to i32
      %sign3A_82 = arith.constant 0 : i32
      %sign3A_83 = arith.cmpi slt, %jit3A_70, %sign3A_82 : i32
      %sign3A_84 = arith.extui %sign3A_83 : i1 to i32
      %sign3A_85 = arith.subi %sign3A_81, %sign3A_84 : i32
      %ne3A_86 = arith.cmpi ne, %sign3A_78, %sign3A_85 : i32
      %rem3A_87 = arith.remsi %add3A_69, %jit3A_70 : i32
      %ne3A_88 = arith.constant 0 : i32
      %ne3A_89 = arith.cmpi ne, %rem3A_87, %ne3A_88 : i32
      %and3A_90 = arith.andi %ne3A_86, %ne3A_89 : i1
      %sub3A_91 = arith.constant 1 : i32
      %sub3A_92 = arith.subi %div3A_71, %sub3A_91 : i32
      %select_n3A_93 = arith.select %and3A_90, %sub3A_92, %div3A_71 : i32
      %sub3A_94 = arith.subi %select_n3A_93, %select_n3A : i32
      %scan3A_95 = arith.constant 0 : i32
      %scan3A_96 = arith.constant 0 : i32
      %scan3A_97 = arith.constant 16 : i32
      %scan3A_98 = arith.addi %scan3A_96, %scan3A_97 : i32
      %scan3A_99 = arith.constant 1 : i32
      %scan3A_100 = scf.for %scan3A_171 = %scan3A_96 to %scan3A_98 step %scan3A_99 iter_args(%scan3A_172 = %scan3A_95) -> (i32)  : i32 {
        %mul3A_173 = arith.constant 16 : i32
        %mul3A_174 = arith.muli %scan3A_171, %mul3A_173 : i32
        %add3A_175 = arith.constant 0 : i32
        %add3A_176 = arith.addi %mul3A_174, %add3A_175 : i32
        %mul3A_177 = arith.constant 16 : i32
        %mul3A_178 = arith.muli %add3A_176, %mul3A_177 : i32
        %get3A = arith.index_cast %sub3A_94 : i32 to index
        %get3A_179 = arith.index_cast %mul3A_178 : i32 to index
        %get3A_180 = tpu.vector_load %arg6[%get3A, %get3A_179] {strides = array<i32>} : memref<2x4096xi32, #tpu.memory_space<vmem>>, vector<16xi32>,
        %gather3A = tpu.vector_load_idx %arg5[%get3A_180] : memref<100001xf32, #tpu.memory_space<vmem>>[vector<16xi32>], vector<16xf32>,
        %swap3A = arith.constant 1 : i32
        %swap3A_181 = arith.index_cast %swap3A : i32 to index
        %swap3A_182 = arith.index_cast %mul3A_178 : i32 to index
        %swap3A_183 = tpu.vector_load %arg7[%swap3A_181, %swap3A_182] {strides = array<i32>} : memref<4x4096xf32, #tpu.memory_space<vmem>>, vector<16xf32>,
        tpu.vector_store %arg7[%swap3A_181, %swap3A_182], %gather3A {strides = array<i32>} : memref<4x4096xf32, #tpu.memory_space<vmem>>, vector<16xf32>,
        %mul3A_184 = arith.constant 16 : i32
        %mul3A_185 = arith.muli %scan3A_171, %mul3A_184 : i32
        %add3A_186 = arith.constant 1 : i32
        %add3A_187 = arith.addi %mul3A_185, %add3A_186 : i32
        %mul3A_188 = arith.constant 16 : i32
        %mul3A_189 = arith.muli %add3A_187, %mul3A_188 : i32
        %get3A_190 = arith.index_cast %sub3A_94 : i32 to index
        %get3A_191 = arith.index_cast %mul3A_189 : i32 to index
        %get3A_192 = tpu.vector_load %arg6[%get3A_190, %get3A_191] {strides = array<i32>} : memref<2x4096xi32, #tpu.memory_space<vmem>>, vector<16xi32>,
        %gather3A_193 = tpu.vector_load_idx %arg5[%get3A_192] : memref<100001xf32, #tpu.memory_space<vmem>>[vector<16xi32>], vector<16xf32>,
        %swap3A_194 = arith.constant 1 : i32
        %swap3A_195 = arith.index_cast %swap3A_194 : i32 to index
        %swap3A_196 = arith.index_cast %mul3A_189 : i32 to index
        %swap3A_197 = tpu.vector_load %arg7[%swap3A_195, %swap3A_196] {strides = array<i32>} : memref<4x4096xf32, #tpu.memory_space<vmem>>, vector<16xf32>,
        tpu.vector_store %arg7[%swap3A_195, %swap3A_196], %gather3A_193 {strides = array<i32>} : memref<4x4096xf32, #tpu.memory_space<vmem>>, vector<16xf32>,
        %mul3A_198 = arith.constant 16 : i32
        %mul3A_199 = arith.muli %scan3A_171, %mul3A_198 : i32
        %add3A_200 = arith.constant 2 : i32
        %add3A_201 = arith.addi %mul3A_199, %add3A_200 : i32
        %mul3A_202 = arith.constant 16 : i32
        %mul3A_203 = arith.muli %add3A_201, %mul3A_202 : i32
        %get3A_204 = arith.index_cast %sub3A_94 : i32 to index
        %get3A_205 = arith.index_cast %mul3A_203 : i32 to index
        %get3A_206 = tpu.vector_load %arg6[%get3A_204, %get3A_205] {strides = array<i32>} : memref<2x4096xi32, #tpu.memory_space<vmem>>, vector<16xi32>,
        %gather3A_207 = tpu.vector_load_idx %arg5[%get3A_206] : memref<100001xf32, #tpu.memory_space<vmem>>[vector<16xi32>], vector<16xf32>,
        %swap3A_208 = arith.constant 1 : i32
        %swap3A_209 = arith.index_cast %swap3A_208 : i32 to index
        %swap3A_210 = arith.index_cast %mul3A_203 : i32 to index
        %swap3A_211 = tpu.vector_load %arg7[%swap3A_209, %swap3A_210] {strides = array<i32>} : memref<4x4096xf32, #tpu.memory_space<vmem>>, vector<16xf32>,
        tpu.vector_store %arg7[%swap3A_209, %swap3A_210], %gather3A_207 {strides = array<i32>} : memref<4x4096xf32, #tpu.memory_space<vmem>>, vector<16xf32>,
        %mul3A_212 = arith.constant 16 : i32
        %mul3A_213 = arith.muli %scan3A_171, %mul3A_212 : i32
        %add3A_214 = arith.constant 3 : i32
        %add3A_215 = arith.addi %mul3A_213, %add3A_214 : i32
        %mul3A_216 = arith.constant 16 : i32
        %mul3A_217 = arith.muli %add3A_215, %mul3A_216 : i32
        %get3A_218 = arith.index_cast %sub3A_94 : i32 to index
        %get3A_219 = arith.index_cast %mul3A_217 : i32 to index
        %get3A_220 = tpu.vector_load %arg6[%get3A_218, %get3A_219] {strides = array<i32>} : memref<2x4096xi32, #tpu.memory_space<vmem>>, vector<16xi32>,
        %gather3A_221 = tpu.vector_load_idx %arg5[%get3A_220] : memref<100001xf32, #tpu.memory_space<vmem>>[vector<16xi32>], vector<16xf32>,
        %swap3A_222 = arith.constant 1 : i32
        %swap3A_223 = arith.index_cast %swap3A_222 : i32 to index
        %swap3A_224 = arith.index_cast %mul3A_217 : i32 to index
        %swap3A_225 = tpu.vector_load %arg7[%swap3A_223, %swap3A_224] {strides = array<i32>} : memref<4x4096xf32, #tpu.memory_space<vmem>>, vector<16xf32>,
        tpu.vector_store %arg7[%swap3A_223, %swap3A_224], %gather3A_221 {strides = array<i32>} : memref<4x4096xf32, #tpu.memory_space<vmem>>, vector<16xf32>,
        %mul3A_226 = arith.constant 16 : i32
        %mul3A_227 = arith.muli %scan3A_171, %mul3A_226 : i32
        %add3A_228 = arith.constant 4 : i32
        %add3A_229 = arith.addi %mul3A_227, %add3A_228 : i32
        %mul3A_230 = arith.constant 16 : i32
        %mul3A_231 = arith.muli %add3A_229, %mul3A_230 : i32
        %get3A_232 = arith.index_cast %sub3A_94 : i32 to index
        %get3A_233 = arith.index_cast %mul3A_231 : i32 to index
        %get3A_234 = tpu.vector_load %arg6[%get3A_232, %get3A_233] {strides = array<i32>} : memref<2x4096xi32, #tpu.memory_space<vmem>>, vector<16xi32>,
        %gather3A_235 = tpu.vector_load_idx %arg5[%get3A_234] : memref<100001xf32, #tpu.memory_space<vmem>>[vector<16xi32>], vector<16xf32>,
        %swap3A_236 = arith.constant 1 : i32
        %swap3A_237 = arith.index_cast %swap3A_236 : i32 to index
        %swap3A_238 = arith.index_cast %mul3A_231 : i32 to index
        %swap3A_239 = tpu.vector_load %arg7[%swap3A_237, %swap3A_238] {strides = array<i32>} : memref<4x4096xf32, #tpu.memory_space<vmem>>, vector<16xf32>,
        tpu.vector_store %arg7[%swap3A_237, %swap3A_238], %gather3A_235 {strides = array<i32>} : memref<4x4096xf32, #tpu.memory_space<vmem>>, vector<16xf32>,
        %mul3A_240 = arith.constant 16 : i32
        %mul3A_241 = arith.muli %scan3A_171, %mul3A_240 : i32
        %add3A_242 = arith.constant 5 : i32
        %add3A_243 = arith.addi %mul3A_241, %add3A_242 : i32
        %mul3A_244 = arith.constant 16 : i32
        %mul3A_245 = arith.muli %add3A_243, %mul3A_244 : i32
        %get3A_246 = arith.index_cast %sub3A_94 : i32 to index
        %get3A_247 = arith.index_cast %mul3A_245 : i32 to index
        %get3A_248 = tpu.vector_load %arg6[%get3A_246, %get3A_247] {strides = array<i32>} : memref<2x4096xi32, #tpu.memory_space<vmem>>, vector<16xi32>,
        %gather3A_249 = tpu.vector_load_idx %arg5[%get3A_248] : memref<100001xf32, #tpu.memory_space<vmem>>[vector<16xi32>], vector<16xf32>,
        %swap3A_250 = arith.constant 1 : i32
        %swap3A_251 = arith.index_cast %swap3A_250 : i32 to index
        %swap3A_252 = arith.index_cast %mul3A_245 : i32 to index
        %swap3A_253 = tpu.vector_load %arg7[%swap3A_251, %swap3A_252] {strides = array<i32>} : memref<4x4096xf32, #tpu.memory_space<vmem>>, vector<16xf32>,
        tpu.vector_store %arg7[%swap3A_251, %swap3A_252], %gather3A_249 {strides = array<i32>} : memref<4x4096xf32, #tpu.memory_space<vmem>>, vector<16xf32>,
        %mul3A_254 = arith.constant 16 : i32
        %mul3A_255 = arith.muli %scan3A_171, %mul3A_254 : i32
        %add3A_256 = arith.constant 6 : i32
        %add3A_257 = arith.addi %mul3A_255, %add3A_256 : i32
        %mul3A_258 = arith.constant 16 : i32
        %mul3A_259 = arith.muli %add3A_257, %mul3A_258 : i32
        %get3A_260 = arith.index_cast %sub3A_94 : i32 to index
        %get3A_261 = arith.index_cast %mul3A_259 : i32 to index
        %get3A_262 = tpu.vector_load %arg6[%get3A_260, %get3A_261] {strides = array<i32>} : memref<2x4096xi32, #tpu.memory_space<vmem>>, vector<16xi32>,
        %gather3A_263 = tpu.vector_load_idx %arg5[%get3A_262] : memref<100001xf32, #tpu.memory_space<vmem>>[vector<16xi32>], vector<16xf32>,
        %swap3A_264 = arith.constant 1 : i32
        %swap3A_265 = arith.index_cast %swap3A_264 : i32 to index
        %swap3A_266 = arith.index_cast %mul3A_259 : i32 to index
        %swap3A_267 = tpu.vector_load %arg7[%swap3A_265, %swap3A_266] {strides = array<i32>} : memref<4x4096xf32, #tpu.memory_space<vmem>>, vector<16xf32>,
        tpu.vector_store %arg7[%swap3A_265, %swap3A_266], %gather3A_263 {strides = array<i32>} : memref<4x4096xf32, #tpu.memory_space<vmem>>, vector<16xf32>,
        %mul3A_268 = arith.constant 16 : i32
        %mul3A_269 = arith.muli %scan3A_171, %mul3A_268 : i32
        %add3A_270 = arith.constant 7 : i32
        %add3A_271 = arith.addi %mul3A_269, %add3A_270 : i32
        %mul3A_272 = arith.constant 16 : i32
        %mul3A_273 = arith.muli %add3A_271, %mul3A_272 : i32
        %get3A_274 = arith.index_cast %sub3A_94 : i32 to index
        %get3A_275 = arith.index_cast %mul3A_273 : i32 to index
        %get3A_276 = tpu.vector_load %arg6[%get3A_274, %get3A_275] {strides = array<i32>} : memref<2x4096xi32, #tpu.memory_space<vmem>>, vector<16xi32>,
        %gather3A_277 = tpu.vector_load_idx %arg5[%get3A_276] : memref<100001xf32, #tpu.memory_space<vmem>>[vector<16xi32>], vector<16xf32>,
        %swap3A_278 = arith.constant 1 : i32
        %swap3A_279 = arith.index_cast %swap3A_278 : i32 to index
        %swap3A_280 = arith.index_cast %mul3A_273 : i32 to index
        %swap3A_281 = tpu.vector_load %arg7[%swap3A_279, %swap3A_280] {strides = array<i32>} : memref<4x4096xf32, #tpu.memory_space<vmem>>, vector<16xf32>,
        tpu.vector_store %arg7[%swap3A_279, %swap3A_280], %gather3A_277 {strides = array<i32>} : memref<4x4096xf32, #tpu.memory_space<vmem>>, vector<16xf32>,
        %mul3A_282 = arith.constant 16 : i32
        %mul3A_283 = arith.muli %scan3A_171, %mul3A_282 : i32
        %add3A_284 = arith.constant 8 : i32
        %add3A_285 = arith.addi %mul3A_283, %add3A_284 : i32
        %mul3A_286 = arith.constant 16 : i32
        %mul3A_287 = arith.muli %add3A_285, %mul3A_286 : i32
        %get3A_288 = arith.index_cast %sub3A_94 : i32 to index
        %get3A_289 = arith.index_cast %mul3A_287 : i32 to index
        %get3A_290 = tpu.vector_load %arg6[%get3A_288, %get3A_289] {strides = array<i32>} : memref<2x4096xi32, #tpu.memory_space<vmem>>, vector<16xi32>,
        %gather3A_291 = tpu.vector_load_idx %arg5[%get3A_290] : memref<100001xf32, #tpu.memory_space<vmem>>[vector<16xi32>], vector<16xf32>,
        %swap3A_292 = arith.constant 1 : i32
        %swap3A_293 = arith.index_cast %swap3A_292 : i32 to index
        %swap3A_294 = arith.index_cast %mul3A_287 : i32 to index
        %swap3A_295 = tpu.vector_load %arg7[%swap3A_293, %swap3A_294] {strides = array<i32>} : memref<4x4096xf32, #tpu.memory_space<vmem>>, vector<16xf32>,
        tpu.vector_store %arg7[%swap3A_293, %swap3A_294], %gather3A_291 {strides = array<i32>} : memref<4x4096xf32, #tpu.memory_space<vmem>>, vector<16xf32>,
        %mul3A_296 = arith.constant 16 : i32
        %mul3A_297 = arith.muli %scan3A_171, %mul3A_296 : i32
        %add3A_298 = arith.constant 9 : i32
        %add3A_299 = arith.addi %mul3A_297, %add3A_298 : i32
        %mul3A_300 = arith.constant 16 : i32
        %mul3A_301 = arith.muli %add3A_299, %mul3A_300 : i32
        %get3A_302 = arith.index_cast %sub3A_94 : i32 to index
        %get3A_303 = arith.index_cast %mul3A_301 : i32 to index
        %get3A_304 = tpu.vector_load %arg6[%get3A_302, %get3A_303] {strides = array<i32>} : memref<2x4096xi32, #tpu.memory_space<vmem>>, vector<16xi32>,
        %gather3A_305 = tpu.vector_load_idx %arg5[%get3A_304] : memref<100001xf32, #tpu.memory_space<vmem>>[vector<16xi32>], vector<16xf32>,
        %swap3A_306 = arith.constant 1 : i32
        %swap3A_307 = arith.index_cast %swap3A_306 : i32 to index
        %swap3A_308 = arith.index_cast %mul3A_301 : i32 to index
        %swap3A_309 = tpu.vector_load %arg7[%swap3A_307, %swap3A_308] {strides = array<i32>} : memref<4x4096xf32, #tpu.memory_space<vmem>>, vector<16xf32>,
        tpu.vector_store %arg7[%swap3A_307, %swap3A_308], %gather3A_305 {strides = array<i32>} : memref<4x4096xf32, #tpu.memory_space<vmem>>, vector<16xf32>,
        %mul3A_310 = arith.constant 16 : i32
        %mul3A_311 = arith.muli %scan3A_171, %mul3A_310 : i32
        %add3A_312 = arith.constant 10 : i32
        %add3A_313 = arith.addi %mul3A_311, %add3A_312 : i32
        %mul3A_314 = arith.constant 16 : i32
        %mul3A_315 = arith.muli %add3A_313, %mul3A_314 : i32
        %get3A_316 = arith.index_cast %sub3A_94 : i32 to index
        %get3A_317 = arith.index_cast %mul3A_315 : i32 to index
        %get3A_318 = tpu.vector_load %arg6[%get3A_316, %get3A_317] {strides = array<i32>} : memref<2x4096xi32, #tpu.memory_space<vmem>>, vector<16xi32>,
        %gather3A_319 = tpu.vector_load_idx %arg5[%get3A_318] : memref<100001xf32, #tpu.memory_space<vmem>>[vector<16xi32>], vector<16xf32>,
        %swap3A_320 = arith.constant 1 : i32
        %swap3A_321 = arith.index_cast %swap3A_320 : i32 to index
        %swap3A_322 = arith.index_cast %mul3A_315 : i32 to index
        %swap3A_323 = tpu.vector_load %arg7[%swap3A_321, %swap3A_322] {strides = array<i32>} : memref<4x4096xf32, #tpu.memory_space<vmem>>, vector<16xf32>,
        tpu.vector_store %arg7[%swap3A_321, %swap3A_322], %gather3A_319 {strides = array<i32>} : memref<4x4096xf32, #tpu.memory_space<vmem>>, vector<16xf32>,
        %mul3A_324 = arith.constant 16 : i32
        %mul3A_325 = arith.muli %scan3A_171, %mul3A_324 : i32
        %add3A_326 = arith.constant 11 : i32
        %add3A_327 = arith.addi %mul3A_325, %add3A_326 : i32
        %mul3A_328 = arith.constant 16 : i32
        %mul3A_329 = arith.muli %add3A_327, %mul3A_328 : i32
        %get3A_330 = arith.index_cast %sub3A_94 : i32 to index
        %get3A_331 = arith.index_cast %mul3A_329 : i32 to index
        %get3A_332 = tpu.vector_load %arg6[%get3A_330, %get3A_331] {strides = array<i32>} : memref<2x4096xi32, #tpu.memory_space<vmem>>, vector<16xi32>,
        %gather3A_333 = tpu.vector_load_idx %arg5[%get3A_332] : memref<100001xf32, #tpu.memory_space<vmem>>[vector<16xi32>], vector<16xf32>,
        %swap3A_334 = arith.constant 1 : i32
        %swap3A_335 = arith.index_cast %swap3A_334 : i32 to index
        %swap3A_336 = arith.index_cast %mul3A_329 : i32 to index
        %swap3A_337 = tpu.vector_load %arg7[%swap3A_335, %swap3A_336] {strides = array<i32>} : memref<4x4096xf32, #tpu.memory_space<vmem>>, vector<16xf32>,
        tpu.vector_store %arg7[%swap3A_335, %swap3A_336], %gather3A_333 {strides = array<i32>} : memref<4x4096xf32, #tpu.memory_space<vmem>>, vector<16xf32>,
        %mul3A_338 = arith.constant 16 : i32
        %mul3A_339 = arith.muli %scan3A_171, %mul3A_338 : i32
        %add3A_340 = arith.constant 12 : i32
        %add3A_341 = arith.addi %mul3A_339, %add3A_340 : i32
        %mul3A_342 = arith.constant 16 : i32
        %mul3A_343 = arith.muli %add3A_341, %mul3A_342 : i32
        %get3A_344 = arith.index_cast %sub3A_94 : i32 to index
        %get3A_345 = arith.index_cast %mul3A_343 : i32 to index
        %get3A_346 = tpu.vector_load %arg6[%get3A_344, %get3A_345] {strides = array<i32>} : memref<2x4096xi32, #tpu.memory_space<vmem>>, vector<16xi32>,
        %gather3A_347 = tpu.vector_load_idx %arg5[%get3A_346] : memref<100001xf32, #tpu.memory_space<vmem>>[vector<16xi32>], vector<16xf32>,
        %swap3A_348 = arith.constant 1 : i32
        %swap3A_349 = arith.index_cast %swap3A_348 : i32 to index
        %swap3A_350 = arith.index_cast %mul3A_343 : i32 to index
        %swap3A_351 = tpu.vector_load %arg7[%swap3A_349, %swap3A_350] {strides = array<i32>} : memref<4x4096xf32, #tpu.memory_space<vmem>>, vector<16xf32>,
        tpu.vector_store %arg7[%swap3A_349, %swap3A_350], %gather3A_347 {strides = array<i32>} : memref<4x4096xf32, #tpu.memory_space<vmem>>, vector<16xf32>,
        %mul3A_352 = arith.constant 16 : i32
        %mul3A_353 = arith.muli %scan3A_171, %mul3A_352 : i32
        %add3A_354 = arith.constant 13 : i32
        %add3A_355 = arith.addi %mul3A_353, %add3A_354 : i32
        %mul3A_356 = arith.constant 16 : i32
        %mul3A_357 = arith.muli %add3A_355, %mul3A_356 : i32
        %get3A_358 = arith.index_cast %sub3A_94 : i32 to index
        %get3A_359 = arith.index_cast %mul3A_357 : i32 to index
        %get3A_360 = tpu.vector_load %arg6[%get3A_358, %get3A_359] {strides = array<i32>} : memref<2x4096xi32, #tpu.memory_space<vmem>>, vector<16xi32>,
        %gather3A_361 = tpu.vector_load_idx %arg5[%get3A_360] : memref<100001xf32, #tpu.memory_space<vmem>>[vector<16xi32>], vector<16xf32>,
        %swap3A_362 = arith.constant 1 : i32
        %swap3A_363 = arith.index_cast %swap3A_362 : i32 to index
        %swap3A_364 = arith.index_cast %mul3A_357 : i32 to index
        %swap3A_365 = tpu.vector_load %arg7[%swap3A_363, %swap3A_364] {strides = array<i32>} : memref<4x4096xf32, #tpu.memory_space<vmem>>, vector<16xf32>,
        tpu.vector_store %arg7[%swap3A_363, %swap3A_364], %gather3A_361 {strides = array<i32>} : memref<4x4096xf32, #tpu.memory_space<vmem>>, vector<16xf32>,
        %mul3A_366 = arith.constant 16 : i32
        %mul3A_367 = arith.muli %scan3A_171, %mul3A_366 : i32
        %add3A_368 = arith.constant 14 : i32
        %add3A_369 = arith.addi %mul3A_367, %add3A_368 : i32
        %mul3A_370 = arith.constant 16 : i32
        %mul3A_371 = arith.muli %add3A_369, %mul3A_370 : i32
        %get3A_372 = arith.index_cast %sub3A_94 : i32 to index
        %get3A_373 = arith.index_cast %mul3A_371 : i32 to index
        %get3A_374 = tpu.vector_load %arg6[%get3A_372, %get3A_373] {strides = array<i32>} : memref<2x4096xi32, #tpu.memory_space<vmem>>, vector<16xi32>,
        %gather3A_375 = tpu.vector_load_idx %arg5[%get3A_374] : memref<100001xf32, #tpu.memory_space<vmem>>[vector<16xi32>], vector<16xf32>,
        %swap3A_376 = arith.constant 1 : i32
        %swap3A_377 = arith.index_cast %swap3A_376 : i32 to index
        %swap3A_378 = arith.index_cast %mul3A_371 : i32 to index
        %swap3A_379 = tpu.vector_load %arg7[%swap3A_377, %swap3A_378] {strides = array<i32>} : memref<4x4096xf32, #tpu.memory_space<vmem>>, vector<16xf32>,
        tpu.vector_store %arg7[%swap3A_377, %swap3A_378], %gather3A_375 {strides = array<i32>} : memref<4x4096xf32, #tpu.memory_space<vmem>>, vector<16xf32>,
        %mul3A_380 = arith.constant 16 : i32
        %mul3A_381 = arith.muli %scan3A_171, %mul3A_380 : i32
        %add3A_382 = arith.constant 15 : i32
        %add3A_383 = arith.addi %mul3A_381, %add3A_382 : i32
        %mul3A_384 = arith.constant 16 : i32
        %mul3A_385 = arith.muli %add3A_383, %mul3A_384 : i32
        %get3A_386 = arith.index_cast %sub3A_94 : i32 to index
        %get3A_387 = arith.index_cast %mul3A_385 : i32 to index
        %get3A_388 = tpu.vector_load %arg6[%get3A_386, %get3A_387] {strides = array<i32>} : memref<2x4096xi32, #tpu.memory_space<vmem>>, vector<16xi32>,
        %gather3A_389 = tpu.vector_load_idx %arg5[%get3A_388] : memref<100001xf32, #tpu.memory_space<vmem>>[vector<16xi32>], vector<16xf32>,
        %swap3A_390 = arith.constant 1 : i32
        %swap3A_391 = arith.index_cast %swap3A_390 : i32 to index
        %swap3A_392 = arith.index_cast %mul3A_385 : i32 to index
        %swap3A_393 = tpu.vector_load %arg7[%swap3A_391, %swap3A_392] {strides = array<i32>} : memref<4x4096xf32, #tpu.memory_space<vmem>>, vector<16xf32>,
        tpu.vector_store %arg7[%swap3A_391, %swap3A_392], %gather3A_389 {strides = array<i32>} : memref<4x4096xf32, #tpu.memory_space<vmem>>, vector<16xf32>,
        %scan3A_394 = arith.constant 0 : i32
        scf.yield %scan3A_394 : i32
      }
      %scan3A_101 = arith.constant 16 : i32
      %add3A_102 = arith.constant 2 : i32
      %add3A_103 = arith.addi %add3A_33, %add3A_102 : i32
      "tpu.region"() ({
        %run_scoped3A_171 = tpu.sem_alloc : memref<!tpu.dma_semaphore, #tpu.memory_space<semaphore_mem>>
        %dma_start3A = arith.constant 0 : i32
        %dma_start3A_172 = tpu.memref_slice %arg3[%add3A_103, %dma_start3A] : memref<1664x100001xf32, #tpu.memory_space<hbm>> -> memref<1x100001xf32, #tpu.memory_space<hbm>>
        %dma_start3A_173 = tpu.memref_squeeze %dma_start3A_172 : memref<1x100001xf32, #tpu.memory_space<hbm>> -> memref<100001xf32, #tpu.memory_space<hbm>>
        %dma_start3A_174 = arith.constant 0 : i32
        %dma_start3A_175 = tpu.memref_slice %arg3[%add3A_103, %dma_start3A_174] : memref<1664x100001xf32, #tpu.memory_space<hbm>> -> memref<1x100001xf32, #tpu.memory_space<hbm>>
        %dma_start3A_176 = tpu.memref_squeeze %dma_start3A_175 : memref<1x100001xf32, #tpu.memory_space<hbm>> -> memref<100001xf32, #tpu.memory_space<hbm>>
        tpu.enqueue_dma source(%dma_start3A_176 : memref<100001xf32, #tpu.memory_space<hbm>>) target(%arg5 : memref<100001xf32, #tpu.memory_space<vmem>>) target_semaphore(%run_scoped3A_171 : memref<!tpu.dma_semaphore, #tpu.memory_space<semaphore_mem>>)
        %dma_wait3A = arith.constant 0 : i32
        %dma_wait3A_177 = tpu.memref_slice %arg3[%add3A_103, %dma_wait3A] : memref<1664x100001xf32, #tpu.memory_space<hbm>> -> memref<1x100001xf32, #tpu.memory_space<hbm>>
        %dma_wait3A_178 = tpu.memref_squeeze %dma_wait3A_177 : memref<1x100001xf32, #tpu.memory_space<hbm>> -> memref<100001xf32, #tpu.memory_space<hbm>>
        %dma_wait3A_179 = arith.constant 0 : i32
        %dma_wait3A_180 = tpu.memref_slice %arg3[%add3A_103, %dma_wait3A_179] : memref<1664x100001xf32, #tpu.memory_space<hbm>> -> memref<1x100001xf32, #tpu.memory_space<hbm>>
        %dma_wait3A_181 = tpu.memref_squeeze %dma_wait3A_180 : memref<1x100001xf32, #tpu.memory_space<hbm>> -> memref<100001xf32, #tpu.memory_space<hbm>>
        tpu.wait_dma2 semaphore(%run_scoped3A_171 : memref<!tpu.dma_semaphore, #tpu.memory_space<semaphore_mem>>) src(%dma_wait3A_181 : memref<100001xf32, #tpu.memory_space<hbm>>) dst(%arg5 : memref<100001xf32, #tpu.memory_space<vmem>>)
        tpu.yield
      }) : () -> ()
      %jit3A_104 = arith.constant 64 : i32
      %div3A_105 = arith.divsi %add3A_103, %jit3A_104 : i32
      %sign3A_106 = arith.constant 0 : i32
      %sign3A_107 = arith.cmpi sgt, %add3A_103, %sign3A_106 : i32
      %sign3A_108 = arith.extui %sign3A_107 : i1 to i32
      %sign3A_109 = arith.constant 0 : i32
      %sign3A_110 = arith.cmpi slt, %add3A_103, %sign3A_109 : i32
      %sign3A_111 = arith.extui %sign3A_110 : i1 to i32
      %sign3A_112 = arith.subi %sign3A_108, %sign3A_111 : i32
      %sign3A_113 = arith.constant 0 : i32
      %sign3A_114 = arith.cmpi sgt, %jit3A_104, %sign3A_113 : i32
      %sign3A_115 = arith.extui %sign3A_114 : i1 to i32
      %sign3A_116 = arith.constant 0 : i32
      %sign3A_117 = arith.cmpi slt, %jit3A_104, %sign3A_116 : i32
      %sign3A_118 = arith.extui %sign3A_117 : i1 to i32
      %sign3A_119 = arith.subi %sign3A_115, %sign3A_118 : i32
      %ne3A_120 = arith.cmpi ne, %sign3A_112, %sign3A_119 : i32
      %rem3A_121 = arith.remsi %add3A_103, %jit3A_104 : i32
      %ne3A_122 = arith.constant 0 : i32
      %ne3A_123 = arith.cmpi ne, %rem3A_121, %ne3A_122 : i32
      %and3A_124 = arith.andi %ne3A_120, %ne3A_123 : i1
      %sub3A_125 = arith.constant 1 : i32
      %sub3A_126 = arith.subi %div3A_105, %sub3A_125 : i32
      %select_n3A_127 = arith.select %and3A_124, %sub3A_126, %div3A_105 : i32
      %sub3A_128 = arith.subi %select_n3A_127, %select_n3A : i32
      %scan3A_129 = arith.constant 0 : i32
      %scan3A_130 = arith.constant 0 : i32
      %scan3A_131 = arith.constant 16 : i32
      %scan3A_132 = arith.addi %scan3A_130, %scan3A_131 : i32
      %scan3A_133 = arith.constant 1 : i32
      %scan3A_134 = scf.for %scan3A_171 = %scan3A_130 to %scan3A_132 step %scan3A_133 iter_args(%scan3A_172 = %scan3A_129) -> (i32)  : i32 {
        %mul3A_173 = arith.constant 16 : i32
        %mul3A_174 = arith.muli %scan3A_171, %mul3A_173 : i32
        %add3A_175 = arith.constant 0 : i32
        %add3A_176 = arith.addi %mul3A_174, %add3A_175 : i32
        %mul3A_177 = arith.constant 16 : i32
        %mul3A_178 = arith.muli %add3A_176, %mul3A_177 : i32
        %get3A = arith.index_cast %sub3A_128 : i32 to index
        %get3A_179 = arith.index_cast %mul3A_178 : i32 to index
        %get3A_180 = tpu.vector_load %arg6[%get3A, %get3A_179] {strides = array<i32>} : memref<2x4096xi32, #tpu.memory_space<vmem>>, vector<16xi32>,
        %gather3A = tpu.vector_load_idx %arg5[%get3A_180] : memref<100001xf32, #tpu.memory_space<vmem>>[vector<16xi32>], vector<16xf32>,
        %swap3A = arith.constant 2 : i32
        %swap3A_181 = arith.index_cast %swap3A : i32 to index
        %swap3A_182 = arith.index_cast %mul3A_178 : i32 to index
        %swap3A_183 = tpu.vector_load %arg7[%swap3A_181, %swap3A_182] {strides = array<i32>} : memref<4x4096xf32, #tpu.memory_space<vmem>>, vector<16xf32>,
        tpu.vector_store %arg7[%swap3A_181, %swap3A_182], %gather3A {strides = array<i32>} : memref<4x4096xf32, #tpu.memory_space<vmem>>, vector<16xf32>,
        %mul3A_184 = arith.constant 16 : i32
        %mul3A_185 = arith.muli %scan3A_171, %mul3A_184 : i32
        %add3A_186 = arith.constant 1 : i32
        %add3A_187 = arith.addi %mul3A_185, %add3A_186 : i32
        %mul3A_188 = arith.constant 16 : i32
        %mul3A_189 = arith.muli %add3A_187, %mul3A_188 : i32
        %get3A_190 = arith.index_cast %sub3A_128 : i32 to index
        %get3A_191 = arith.index_cast %mul3A_189 : i32 to index
        %get3A_192 = tpu.vector_load %arg6[%get3A_190, %get3A_191] {strides = array<i32>} : memref<2x4096xi32, #tpu.memory_space<vmem>>, vector<16xi32>,
        %gather3A_193 = tpu.vector_load_idx %arg5[%get3A_192] : memref<100001xf32, #tpu.memory_space<vmem>>[vector<16xi32>], vector<16xf32>,
        %swap3A_194 = arith.constant 2 : i32
        %swap3A_195 = arith.index_cast %swap3A_194 : i32 to index
        %swap3A_196 = arith.index_cast %mul3A_189 : i32 to index
        %swap3A_197 = tpu.vector_load %arg7[%swap3A_195, %swap3A_196] {strides = array<i32>} : memref<4x4096xf32, #tpu.memory_space<vmem>>, vector<16xf32>,
        tpu.vector_store %arg7[%swap3A_195, %swap3A_196], %gather3A_193 {strides = array<i32>} : memref<4x4096xf32, #tpu.memory_space<vmem>>, vector<16xf32>,
        %mul3A_198 = arith.constant 16 : i32
        %mul3A_199 = arith.muli %scan3A_171, %mul3A_198 : i32
        %add3A_200 = arith.constant 2 : i32
        %add3A_201 = arith.addi %mul3A_199, %add3A_200 : i32
        %mul3A_202 = arith.constant 16 : i32
        %mul3A_203 = arith.muli %add3A_201, %mul3A_202 : i32
        %get3A_204 = arith.index_cast %sub3A_128 : i32 to index
        %get3A_205 = arith.index_cast %mul3A_203 : i32 to index
        %get3A_206 = tpu.vector_load %arg6[%get3A_204, %get3A_205] {strides = array<i32>} : memref<2x4096xi32, #tpu.memory_space<vmem>>, vector<16xi32>,
        %gather3A_207 = tpu.vector_load_idx %arg5[%get3A_206] : memref<100001xf32, #tpu.memory_space<vmem>>[vector<16xi32>], vector<16xf32>,
        %swap3A_208 = arith.constant 2 : i32
        %swap3A_209 = arith.index_cast %swap3A_208 : i32 to index
        %swap3A_210 = arith.index_cast %mul3A_203 : i32 to index
        %swap3A_211 = tpu.vector_load %arg7[%swap3A_209, %swap3A_210] {strides = array<i32>} : memref<4x4096xf32, #tpu.memory_space<vmem>>, vector<16xf32>,
        tpu.vector_store %arg7[%swap3A_209, %swap3A_210], %gather3A_207 {strides = array<i32>} : memref<4x4096xf32, #tpu.memory_space<vmem>>, vector<16xf32>,
        %mul3A_212 = arith.constant 16 : i32
        %mul3A_213 = arith.muli %scan3A_171, %mul3A_212 : i32
        %add3A_214 = arith.constant 3 : i32
        %add3A_215 = arith.addi %mul3A_213, %add3A_214 : i32
        %mul3A_216 = arith.constant 16 : i32
        %mul3A_217 = arith.muli %add3A_215, %mul3A_216 : i32
        %get3A_218 = arith.index_cast %sub3A_128 : i32 to index
        %get3A_219 = arith.index_cast %mul3A_217 : i32 to index
        %get3A_220 = tpu.vector_load %arg6[%get3A_218, %get3A_219] {strides = array<i32>} : memref<2x4096xi32, #tpu.memory_space<vmem>>, vector<16xi32>,
        %gather3A_221 = tpu.vector_load_idx %arg5[%get3A_220] : memref<100001xf32, #tpu.memory_space<vmem>>[vector<16xi32>], vector<16xf32>,
        %swap3A_222 = arith.constant 2 : i32
        %swap3A_223 = arith.index_cast %swap3A_222 : i32 to index
        %swap3A_224 = arith.index_cast %mul3A_217 : i32 to index
        %swap3A_225 = tpu.vector_load %arg7[%swap3A_223, %swap3A_224] {strides = array<i32>} : memref<4x4096xf32, #tpu.memory_space<vmem>>, vector<16xf32>,
        tpu.vector_store %arg7[%swap3A_223, %swap3A_224], %gather3A_221 {strides = array<i32>} : memref<4x4096xf32, #tpu.memory_space<vmem>>, vector<16xf32>,
        %mul3A_226 = arith.constant 16 : i32
        %mul3A_227 = arith.muli %scan3A_171, %mul3A_226 : i32
        %add3A_228 = arith.constant 4 : i32
        %add3A_229 = arith.addi %mul3A_227, %add3A_228 : i32
        %mul3A_230 = arith.constant 16 : i32
        %mul3A_231 = arith.muli %add3A_229, %mul3A_230 : i32
        %get3A_232 = arith.index_cast %sub3A_128 : i32 to index
        %get3A_233 = arith.index_cast %mul3A_231 : i32 to index
        %get3A_234 = tpu.vector_load %arg6[%get3A_232, %get3A_233] {strides = array<i32>} : memref<2x4096xi32, #tpu.memory_space<vmem>>, vector<16xi32>,
        %gather3A_235 = tpu.vector_load_idx %arg5[%get3A_234] : memref<100001xf32, #tpu.memory_space<vmem>>[vector<16xi32>], vector<16xf32>,
        %swap3A_236 = arith.constant 2 : i32
        %swap3A_237 = arith.index_cast %swap3A_236 : i32 to index
        %swap3A_238 = arith.index_cast %mul3A_231 : i32 to index
        %swap3A_239 = tpu.vector_load %arg7[%swap3A_237, %swap3A_238] {strides = array<i32>} : memref<4x4096xf32, #tpu.memory_space<vmem>>, vector<16xf32>,
        tpu.vector_store %arg7[%swap3A_237, %swap3A_238], %gather3A_235 {strides = array<i32>} : memref<4x4096xf32, #tpu.memory_space<vmem>>, vector<16xf32>,
        %mul3A_240 = arith.constant 16 : i32
        %mul3A_241 = arith.muli %scan3A_171, %mul3A_240 : i32
        %add3A_242 = arith.constant 5 : i32
        %add3A_243 = arith.addi %mul3A_241, %add3A_242 : i32
        %mul3A_244 = arith.constant 16 : i32
        %mul3A_245 = arith.muli %add3A_243, %mul3A_244 : i32
        %get3A_246 = arith.index_cast %sub3A_128 : i32 to index
        %get3A_247 = arith.index_cast %mul3A_245 : i32 to index
        %get3A_248 = tpu.vector_load %arg6[%get3A_246, %get3A_247] {strides = array<i32>} : memref<2x4096xi32, #tpu.memory_space<vmem>>, vector<16xi32>,
        %gather3A_249 = tpu.vector_load_idx %arg5[%get3A_248] : memref<100001xf32, #tpu.memory_space<vmem>>[vector<16xi32>], vector<16xf32>,
        %swap3A_250 = arith.constant 2 : i32
        %swap3A_251 = arith.index_cast %swap3A_250 : i32 to index
        %swap3A_252 = arith.index_cast %mul3A_245 : i32 to index
        %swap3A_253 = tpu.vector_load %arg7[%swap3A_251, %swap3A_252] {strides = array<i32>} : memref<4x4096xf32, #tpu.memory_space<vmem>>, vector<16xf32>,
        tpu.vector_store %arg7[%swap3A_251, %swap3A_252], %gather3A_249 {strides = array<i32>} : memref<4x4096xf32, #tpu.memory_space<vmem>>, vector<16xf32>,
        %mul3A_254 = arith.constant 16 : i32
        %mul3A_255 = arith.muli %scan3A_171, %mul3A_254 : i32
        %add3A_256 = arith.constant 6 : i32
        %add3A_257 = arith.addi %mul3A_255, %add3A_256 : i32
        %mul3A_258 = arith.constant 16 : i32
        %mul3A_259 = arith.muli %add3A_257, %mul3A_258 : i32
        %get3A_260 = arith.index_cast %sub3A_128 : i32 to index
        %get3A_261 = arith.index_cast %mul3A_259 : i32 to index
        %get3A_262 = tpu.vector_load %arg6[%get3A_260, %get3A_261] {strides = array<i32>} : memref<2x4096xi32, #tpu.memory_space<vmem>>, vector<16xi32>,
        %gather3A_263 = tpu.vector_load_idx %arg5[%get3A_262] : memref<100001xf32, #tpu.memory_space<vmem>>[vector<16xi32>], vector<16xf32>,
        %swap3A_264 = arith.constant 2 : i32
        %swap3A_265 = arith.index_cast %swap3A_264 : i32 to index
        %swap3A_266 = arith.index_cast %mul3A_259 : i32 to index
        %swap3A_267 = tpu.vector_load %arg7[%swap3A_265, %swap3A_266] {strides = array<i32>} : memref<4x4096xf32, #tpu.memory_space<vmem>>, vector<16xf32>,
        tpu.vector_store %arg7[%swap3A_265, %swap3A_266], %gather3A_263 {strides = array<i32>} : memref<4x4096xf32, #tpu.memory_space<vmem>>, vector<16xf32>,
        %mul3A_268 = arith.constant 16 : i32
        %mul3A_269 = arith.muli %scan3A_171, %mul3A_268 : i32
        %add3A_270 = arith.constant 7 : i32
        %add3A_271 = arith.addi %mul3A_269, %add3A_270 : i32
        %mul3A_272 = arith.constant 16 : i32
        %mul3A_273 = arith.muli %add3A_271, %mul3A_272 : i32
        %get3A_274 = arith.index_cast %sub3A_128 : i32 to index
        %get3A_275 = arith.index_cast %mul3A_273 : i32 to index
        %get3A_276 = tpu.vector_load %arg6[%get3A_274, %get3A_275] {strides = array<i32>} : memref<2x4096xi32, #tpu.memory_space<vmem>>, vector<16xi32>,
        %gather3A_277 = tpu.vector_load_idx %arg5[%get3A_276] : memref<100001xf32, #tpu.memory_space<vmem>>[vector<16xi32>], vector<16xf32>,
        %swap3A_278 = arith.constant 2 : i32
        %swap3A_279 = arith.index_cast %swap3A_278 : i32 to index
        %swap3A_280 = arith.index_cast %mul3A_273 : i32 to index
        %swap3A_281 = tpu.vector_load %arg7[%swap3A_279, %swap3A_280] {strides = array<i32>} : memref<4x4096xf32, #tpu.memory_space<vmem>>, vector<16xf32>,
        tpu.vector_store %arg7[%swap3A_279, %swap3A_280], %gather3A_277 {strides = array<i32>} : memref<4x4096xf32, #tpu.memory_space<vmem>>, vector<16xf32>,
        %mul3A_282 = arith.constant 16 : i32
        %mul3A_283 = arith.muli %scan3A_171, %mul3A_282 : i32
        %add3A_284 = arith.constant 8 : i32
        %add3A_285 = arith.addi %mul3A_283, %add3A_284 : i32
        %mul3A_286 = arith.constant 16 : i32
        %mul3A_287 = arith.muli %add3A_285, %mul3A_286 : i32
        %get3A_288 = arith.index_cast %sub3A_128 : i32 to index
        %get3A_289 = arith.index_cast %mul3A_287 : i32 to index
        %get3A_290 = tpu.vector_load %arg6[%get3A_288, %get3A_289] {strides = array<i32>} : memref<2x4096xi32, #tpu.memory_space<vmem>>, vector<16xi32>,
        %gather3A_291 = tpu.vector_load_idx %arg5[%get3A_290] : memref<100001xf32, #tpu.memory_space<vmem>>[vector<16xi32>], vector<16xf32>,
        %swap3A_292 = arith.constant 2 : i32
        %swap3A_293 = arith.index_cast %swap3A_292 : i32 to index
        %swap3A_294 = arith.index_cast %mul3A_287 : i32 to index
        %swap3A_295 = tpu.vector_load %arg7[%swap3A_293, %swap3A_294] {strides = array<i32>} : memref<4x4096xf32, #tpu.memory_space<vmem>>, vector<16xf32>,
        tpu.vector_store %arg7[%swap3A_293, %swap3A_294], %gather3A_291 {strides = array<i32>} : memref<4x4096xf32, #tpu.memory_space<vmem>>, vector<16xf32>,
        %mul3A_296 = arith.constant 16 : i32
        %mul3A_297 = arith.muli %scan3A_171, %mul3A_296 : i32
        %add3A_298 = arith.constant 9 : i32
        %add3A_299 = arith.addi %mul3A_297, %add3A_298 : i32
        %mul3A_300 = arith.constant 16 : i32
        %mul3A_301 = arith.muli %add3A_299, %mul3A_300 : i32
        %get3A_302 = arith.index_cast %sub3A_128 : i32 to index
        %get3A_303 = arith.index_cast %mul3A_301 : i32 to index
        %get3A_304 = tpu.vector_load %arg6[%get3A_302, %get3A_303] {strides = array<i32>} : memref<2x4096xi32, #tpu.memory_space<vmem>>, vector<16xi32>,
        %gather3A_305 = tpu.vector_load_idx %arg5[%get3A_304] : memref<100001xf32, #tpu.memory_space<vmem>>[vector<16xi32>], vector<16xf32>,
        %swap3A_306 = arith.constant 2 : i32
        %swap3A_307 = arith.index_cast %swap3A_306 : i32 to index
        %swap3A_308 = arith.index_cast %mul3A_301 : i32 to index
        %swap3A_309 = tpu.vector_load %arg7[%swap3A_307, %swap3A_308] {strides = array<i32>} : memref<4x4096xf32, #tpu.memory_space<vmem>>, vector<16xf32>,
        tpu.vector_store %arg7[%swap3A_307, %swap3A_308], %gather3A_305 {strides = array<i32>} : memref<4x4096xf32, #tpu.memory_space<vmem>>, vector<16xf32>,
        %mul3A_310 = arith.constant 16 : i32
        %mul3A_311 = arith.muli %scan3A_171, %mul3A_310 : i32
        %add3A_312 = arith.constant 10 : i32
        %add3A_313 = arith.addi %mul3A_311, %add3A_312 : i32
        %mul3A_314 = arith.constant 16 : i32
        %mul3A_315 = arith.muli %add3A_313, %mul3A_314 : i32
        %get3A_316 = arith.index_cast %sub3A_128 : i32 to index
        %get3A_317 = arith.index_cast %mul3A_315 : i32 to index
        %get3A_318 = tpu.vector_load %arg6[%get3A_316, %get3A_317] {strides = array<i32>} : memref<2x4096xi32, #tpu.memory_space<vmem>>, vector<16xi32>,
        %gather3A_319 = tpu.vector_load_idx %arg5[%get3A_318] : memref<100001xf32, #tpu.memory_space<vmem>>[vector<16xi32>], vector<16xf32>,
        %swap3A_320 = arith.constant 2 : i32
        %swap3A_321 = arith.index_cast %swap3A_320 : i32 to index
        %swap3A_322 = arith.index_cast %mul3A_315 : i32 to index
        %swap3A_323 = tpu.vector_load %arg7[%swap3A_321, %swap3A_322] {strides = array<i32>} : memref<4x4096xf32, #tpu.memory_space<vmem>>, vector<16xf32>,
        tpu.vector_store %arg7[%swap3A_321, %swap3A_322], %gather3A_319 {strides = array<i32>} : memref<4x4096xf32, #tpu.memory_space<vmem>>, vector<16xf32>,
        %mul3A_324 = arith.constant 16 : i32
        %mul3A_325 = arith.muli %scan3A_171, %mul3A_324 : i32
        %add3A_326 = arith.constant 11 : i32
        %add3A_327 = arith.addi %mul3A_325, %add3A_326 : i32
        %mul3A_328 = arith.constant 16 : i32
        %mul3A_329 = arith.muli %add3A_327, %mul3A_328 : i32
        %get3A_330 = arith.index_cast %sub3A_128 : i32 to index
        %get3A_331 = arith.index_cast %mul3A_329 : i32 to index
        %get3A_332 = tpu.vector_load %arg6[%get3A_330, %get3A_331] {strides = array<i32>} : memref<2x4096xi32, #tpu.memory_space<vmem>>, vector<16xi32>,
        %gather3A_333 = tpu.vector_load_idx %arg5[%get3A_332] : memref<100001xf32, #tpu.memory_space<vmem>>[vector<16xi32>], vector<16xf32>,
        %swap3A_334 = arith.constant 2 : i32
        %swap3A_335 = arith.index_cast %swap3A_334 : i32 to index
        %swap3A_336 = arith.index_cast %mul3A_329 : i32 to index
        %swap3A_337 = tpu.vector_load %arg7[%swap3A_335, %swap3A_336] {strides = array<i32>} : memref<4x4096xf32, #tpu.memory_space<vmem>>, vector<16xf32>,
        tpu.vector_store %arg7[%swap3A_335, %swap3A_336], %gather3A_333 {strides = array<i32>} : memref<4x4096xf32, #tpu.memory_space<vmem>>, vector<16xf32>,
        %mul3A_338 = arith.constant 16 : i32
        %mul3A_339 = arith.muli %scan3A_171, %mul3A_338 : i32
        %add3A_340 = arith.constant 12 : i32
        %add3A_341 = arith.addi %mul3A_339, %add3A_340 : i32
        %mul3A_342 = arith.constant 16 : i32
        %mul3A_343 = arith.muli %add3A_341, %mul3A_342 : i32
        %get3A_344 = arith.index_cast %sub3A_128 : i32 to index
        %get3A_345 = arith.index_cast %mul3A_343 : i32 to index
        %get3A_346 = tpu.vector_load %arg6[%get3A_344, %get3A_345] {strides = array<i32>} : memref<2x4096xi32, #tpu.memory_space<vmem>>, vector<16xi32>,
        %gather3A_347 = tpu.vector_load_idx %arg5[%get3A_346] : memref<100001xf32, #tpu.memory_space<vmem>>[vector<16xi32>], vector<16xf32>,
        %swap3A_348 = arith.constant 2 : i32
        %swap3A_349 = arith.index_cast %swap3A_348 : i32 to index
        %swap3A_350 = arith.index_cast %mul3A_343 : i32 to index
        %swap3A_351 = tpu.vector_load %arg7[%swap3A_349, %swap3A_350] {strides = array<i32>} : memref<4x4096xf32, #tpu.memory_space<vmem>>, vector<16xf32>,
        tpu.vector_store %arg7[%swap3A_349, %swap3A_350], %gather3A_347 {strides = array<i32>} : memref<4x4096xf32, #tpu.memory_space<vmem>>, vector<16xf32>,
        %mul3A_352 = arith.constant 16 : i32
        %mul3A_353 = arith.muli %scan3A_171, %mul3A_352 : i32
        %add3A_354 = arith.constant 13 : i32
        %add3A_355 = arith.addi %mul3A_353, %add3A_354 : i32
        %mul3A_356 = arith.constant 16 : i32
        %mul3A_357 = arith.muli %add3A_355, %mul3A_356 : i32
        %get3A_358 = arith.index_cast %sub3A_128 : i32 to index
        %get3A_359 = arith.index_cast %mul3A_357 : i32 to index
        %get3A_360 = tpu.vector_load %arg6[%get3A_358, %get3A_359] {strides = array<i32>} : memref<2x4096xi32, #tpu.memory_space<vmem>>, vector<16xi32>,
        %gather3A_361 = tpu.vector_load_idx %arg5[%get3A_360] : memref<100001xf32, #tpu.memory_space<vmem>>[vector<16xi32>], vector<16xf32>,
        %swap3A_362 = arith.constant 2 : i32
        %swap3A_363 = arith.index_cast %swap3A_362 : i32 to index
        %swap3A_364 = arith.index_cast %mul3A_357 : i32 to index
        %swap3A_365 = tpu.vector_load %arg7[%swap3A_363, %swap3A_364] {strides = array<i32>} : memref<4x4096xf32, #tpu.memory_space<vmem>>, vector<16xf32>,
        tpu.vector_store %arg7[%swap3A_363, %swap3A_364], %gather3A_361 {strides = array<i32>} : memref<4x4096xf32, #tpu.memory_space<vmem>>, vector<16xf32>,
        %mul3A_366 = arith.constant 16 : i32
        %mul3A_367 = arith.muli %scan3A_171, %mul3A_366 : i32
        %add3A_368 = arith.constant 14 : i32
        %add3A_369 = arith.addi %mul3A_367, %add3A_368 : i32
        %mul3A_370 = arith.constant 16 : i32
        %mul3A_371 = arith.muli %add3A_369, %mul3A_370 : i32
        %get3A_372 = arith.index_cast %sub3A_128 : i32 to index
        %get3A_373 = arith.index_cast %mul3A_371 : i32 to index
        %get3A_374 = tpu.vector_load %arg6[%get3A_372, %get3A_373] {strides = array<i32>} : memref<2x4096xi32, #tpu.memory_space<vmem>>, vector<16xi32>,
        %gather3A_375 = tpu.vector_load_idx %arg5[%get3A_374] : memref<100001xf32, #tpu.memory_space<vmem>>[vector<16xi32>], vector<16xf32>,
        %swap3A_376 = arith.constant 2 : i32
        %swap3A_377 = arith.index_cast %swap3A_376 : i32 to index
        %swap3A_378 = arith.index_cast %mul3A_371 : i32 to index
        %swap3A_379 = tpu.vector_load %arg7[%swap3A_377, %swap3A_378] {strides = array<i32>} : memref<4x4096xf32, #tpu.memory_space<vmem>>, vector<16xf32>,
        tpu.vector_store %arg7[%swap3A_377, %swap3A_378], %gather3A_375 {strides = array<i32>} : memref<4x4096xf32, #tpu.memory_space<vmem>>, vector<16xf32>,
        %mul3A_380 = arith.constant 16 : i32
        %mul3A_381 = arith.muli %scan3A_171, %mul3A_380 : i32
        %add3A_382 = arith.constant 15 : i32
        %add3A_383 = arith.addi %mul3A_381, %add3A_382 : i32
        %mul3A_384 = arith.constant 16 : i32
        %mul3A_385 = arith.muli %add3A_383, %mul3A_384 : i32
        %get3A_386 = arith.index_cast %sub3A_128 : i32 to index
        %get3A_387 = arith.index_cast %mul3A_385 : i32 to index
        %get3A_388 = tpu.vector_load %arg6[%get3A_386, %get3A_387] {strides = array<i32>} : memref<2x4096xi32, #tpu.memory_space<vmem>>, vector<16xi32>,
        %gather3A_389 = tpu.vector_load_idx %arg5[%get3A_388] : memref<100001xf32, #tpu.memory_space<vmem>>[vector<16xi32>], vector<16xf32>,
        %swap3A_390 = arith.constant 2 : i32
        %swap3A_391 = arith.index_cast %swap3A_390 : i32 to index
        %swap3A_392 = arith.index_cast %mul3A_385 : i32 to index
        %swap3A_393 = tpu.vector_load %arg7[%swap3A_391, %swap3A_392] {strides = array<i32>} : memref<4x4096xf32, #tpu.memory_space<vmem>>, vector<16xf32>,
        tpu.vector_store %arg7[%swap3A_391, %swap3A_392], %gather3A_389 {strides = array<i32>} : memref<4x4096xf32, #tpu.memory_space<vmem>>, vector<16xf32>,
        %scan3A_394 = arith.constant 0 : i32
        scf.yield %scan3A_394 : i32
      }
      %scan3A_135 = arith.constant 16 : i32
      %add3A_136 = arith.constant 3 : i32
      %add3A_137 = arith.addi %add3A_33, %add3A_136 : i32
      "tpu.region"() ({
        %run_scoped3A_171 = tpu.sem_alloc : memref<!tpu.dma_semaphore, #tpu.memory_space<semaphore_mem>>
        %dma_start3A = arith.constant 0 : i32
        %dma_start3A_172 = tpu.memref_slice %arg3[%add3A_137, %dma_start3A] : memref<1664x100001xf32, #tpu.memory_space<hbm>> -> memref<1x100001xf32, #tpu.memory_space<hbm>>
        %dma_start3A_173 = tpu.memref_squeeze %dma_start3A_172 : memref<1x100001xf32, #tpu.memory_space<hbm>> -> memref<100001xf32, #tpu.memory_space<hbm>>
        %dma_start3A_174 = arith.constant 0 : i32
        %dma_start3A_175 = tpu.memref_slice %arg3[%add3A_137, %dma_start3A_174] : memref<1664x100001xf32, #tpu.memory_space<hbm>> -> memref<1x100001xf32, #tpu.memory_space<hbm>>
        %dma_start3A_176 = tpu.memref_squeeze %dma_start3A_175 : memref<1x100001xf32, #tpu.memory_space<hbm>> -> memref<100001xf32, #tpu.memory_space<hbm>>
        tpu.enqueue_dma source(%dma_start3A_176 : memref<100001xf32, #tpu.memory_space<hbm>>) target(%arg5 : memref<100001xf32, #tpu.memory_space<vmem>>) target_semaphore(%run_scoped3A_171 : memref<!tpu.dma_semaphore, #tpu.memory_space<semaphore_mem>>)
        %dma_wait3A = arith.constant 0 : i32
        %dma_wait3A_177 = tpu.memref_slice %arg3[%add3A_137, %dma_wait3A] : memref<1664x100001xf32, #tpu.memory_space<hbm>> -> memref<1x100001xf32, #tpu.memory_space<hbm>>
        %dma_wait3A_178 = tpu.memref_squeeze %dma_wait3A_177 : memref<1x100001xf32, #tpu.memory_space<hbm>> -> memref<100001xf32, #tpu.memory_space<hbm>>
        %dma_wait3A_179 = arith.constant 0 : i32
        %dma_wait3A_180 = tpu.memref_slice %arg3[%add3A_137, %dma_wait3A_179] : memref<1664x100001xf32, #tpu.memory_space<hbm>> -> memref<1x100001xf32, #tpu.memory_space<hbm>>
        %dma_wait3A_181 = tpu.memref_squeeze %dma_wait3A_180 : memref<1x100001xf32, #tpu.memory_space<hbm>> -> memref<100001xf32, #tpu.memory_space<hbm>>
        tpu.wait_dma2 semaphore(%run_scoped3A_171 : memref<!tpu.dma_semaphore, #tpu.memory_space<semaphore_mem>>) src(%dma_wait3A_181 : memref<100001xf32, #tpu.memory_space<hbm>>) dst(%arg5 : memref<100001xf32, #tpu.memory_space<vmem>>)
        tpu.yield
      }) : () -> ()
      %jit3A_138 = arith.constant 64 : i32
      %div3A_139 = arith.divsi %add3A_137, %jit3A_138 : i32
      %sign3A_140 = arith.constant 0 : i32
      %sign3A_141 = arith.cmpi sgt, %add3A_137, %sign3A_140 : i32
      %sign3A_142 = arith.extui %sign3A_141 : i1 to i32
      %sign3A_143 = arith.constant 0 : i32
      %sign3A_144 = arith.cmpi slt, %add3A_137, %sign3A_143 : i32
      %sign3A_145 = arith.extui %sign3A_144 : i1 to i32
      %sign3A_146 = arith.subi %sign3A_142, %sign3A_145 : i32
      %sign3A_147 = arith.constant 0 : i32
      %sign3A_148 = arith.cmpi sgt, %jit3A_138, %sign3A_147 : i32
      %sign3A_149 = arith.extui %sign3A_148 : i1 to i32
      %sign3A_150 = arith.constant 0 : i32
      %sign3A_151 = arith.cmpi slt, %jit3A_138, %sign3A_150 : i32
      %sign3A_152 = arith.extui %sign3A_151 : i1 to i32
      %sign3A_153 = arith.subi %sign3A_149, %sign3A_152 : i32
      %ne3A_154 = arith.cmpi ne, %sign3A_146, %sign3A_153 : i32
      %rem3A_155 = arith.remsi %add3A_137, %jit3A_138 : i32
      %ne3A_156 = arith.constant 0 : i32
      %ne3A_157 = arith.cmpi ne, %rem3A_155, %ne3A_156 : i32
      %and3A_158 = arith.andi %ne3A_154, %ne3A_157 : i1
      %sub3A_159 = arith.constant 1 : i32
      %sub3A_160 = arith.subi %div3A_139, %sub3A_159 : i32
      %select_n3A_161 = arith.select %and3A_158, %sub3A_160, %div3A_139 : i32
      %sub3A_162 = arith.subi %select_n3A_161, %select_n3A : i32
      %scan3A_163 = arith.constant 0 : i32
      %scan3A_164 = arith.constant 0 : i32
      %scan3A_165 = arith.constant 16 : i32
      %scan3A_166 = arith.addi %scan3A_164, %scan3A_165 : i32
      %scan3A_167 = arith.constant 1 : i32
      %scan3A_168 = scf.for %scan3A_171 = %scan3A_164 to %scan3A_166 step %scan3A_167 iter_args(%scan3A_172 = %scan3A_163) -> (i32)  : i32 {
        %mul3A_173 = arith.constant 16 : i32
        %mul3A_174 = arith.muli %scan3A_171, %mul3A_173 : i32
        %add3A_175 = arith.constant 0 : i32
        %add3A_176 = arith.addi %mul3A_174, %add3A_175 : i32
        %mul3A_177 = arith.constant 16 : i32
        %mul3A_178 = arith.muli %add3A_176, %mul3A_177 : i32
        %get3A = arith.index_cast %sub3A_162 : i32 to index
        %get3A_179 = arith.index_cast %mul3A_178 : i32 to index
        %get3A_180 = tpu.vector_load %arg6[%get3A, %get3A_179] {strides = array<i32>} : memref<2x4096xi32, #tpu.memory_space<vmem>>, vector<16xi32>,
        %gather3A = tpu.vector_load_idx %arg5[%get3A_180] : memref<100001xf32, #tpu.memory_space<vmem>>[vector<16xi32>], vector<16xf32>,
        %swap3A = arith.constant 3 : i32
        %swap3A_181 = arith.index_cast %swap3A : i32 to index
        %swap3A_182 = arith.index_cast %mul3A_178 : i32 to index
        %swap3A_183 = tpu.vector_load %arg7[%swap3A_181, %swap3A_182] {strides = array<i32>} : memref<4x4096xf32, #tpu.memory_space<vmem>>, vector<16xf32>,
        tpu.vector_store %arg7[%swap3A_181, %swap3A_182], %gather3A {strides = array<i32>} : memref<4x4096xf32, #tpu.memory_space<vmem>>, vector<16xf32>,
        %mul3A_184 = arith.constant 16 : i32
        %mul3A_185 = arith.muli %scan3A_171, %mul3A_184 : i32
        %add3A_186 = arith.constant 1 : i32
        %add3A_187 = arith.addi %mul3A_185, %add3A_186 : i32
        %mul3A_188 = arith.constant 16 : i32
        %mul3A_189 = arith.muli %add3A_187, %mul3A_188 : i32
        %get3A_190 = arith.index_cast %sub3A_162 : i32 to index
        %get3A_191 = arith.index_cast %mul3A_189 : i32 to index
        %get3A_192 = tpu.vector_load %arg6[%get3A_190, %get3A_191] {strides = array<i32>} : memref<2x4096xi32, #tpu.memory_space<vmem>>, vector<16xi32>,
        %gather3A_193 = tpu.vector_load_idx %arg5[%get3A_192] : memref<100001xf32, #tpu.memory_space<vmem>>[vector<16xi32>], vector<16xf32>,
        %swap3A_194 = arith.constant 3 : i32
        %swap3A_195 = arith.index_cast %swap3A_194 : i32 to index
        %swap3A_196 = arith.index_cast %mul3A_189 : i32 to index
        %swap3A_197 = tpu.vector_load %arg7[%swap3A_195, %swap3A_196] {strides = array<i32>} : memref<4x4096xf32, #tpu.memory_space<vmem>>, vector<16xf32>,
        tpu.vector_store %arg7[%swap3A_195, %swap3A_196], %gather3A_193 {strides = array<i32>} : memref<4x4096xf32, #tpu.memory_space<vmem>>, vector<16xf32>,
        %mul3A_198 = arith.constant 16 : i32
        %mul3A_199 = arith.muli %scan3A_171, %mul3A_198 : i32
        %add3A_200 = arith.constant 2 : i32
        %add3A_201 = arith.addi %mul3A_199, %add3A_200 : i32
        %mul3A_202 = arith.constant 16 : i32
        %mul3A_203 = arith.muli %add3A_201, %mul3A_202 : i32
        %get3A_204 = arith.index_cast %sub3A_162 : i32 to index
        %get3A_205 = arith.index_cast %mul3A_203 : i32 to index
        %get3A_206 = tpu.vector_load %arg6[%get3A_204, %get3A_205] {strides = array<i32>} : memref<2x4096xi32, #tpu.memory_space<vmem>>, vector<16xi32>,
        %gather3A_207 = tpu.vector_load_idx %arg5[%get3A_206] : memref<100001xf32, #tpu.memory_space<vmem>>[vector<16xi32>], vector<16xf32>,
        %swap3A_208 = arith.constant 3 : i32
        %swap3A_209 = arith.index_cast %swap3A_208 : i32 to index
        %swap3A_210 = arith.index_cast %mul3A_203 : i32 to index
        %swap3A_211 = tpu.vector_load %arg7[%swap3A_209, %swap3A_210] {strides = array<i32>} : memref<4x4096xf32, #tpu.memory_space<vmem>>, vector<16xf32>,
        tpu.vector_store %arg7[%swap3A_209, %swap3A_210], %gather3A_207 {strides = array<i32>} : memref<4x4096xf32, #tpu.memory_space<vmem>>, vector<16xf32>,
        %mul3A_212 = arith.constant 16 : i32
        %mul3A_213 = arith.muli %scan3A_171, %mul3A_212 : i32
        %add3A_214 = arith.constant 3 : i32
        %add3A_215 = arith.addi %mul3A_213, %add3A_214 : i32
        %mul3A_216 = arith.constant 16 : i32
        %mul3A_217 = arith.muli %add3A_215, %mul3A_216 : i32
        %get3A_218 = arith.index_cast %sub3A_162 : i32 to index
        %get3A_219 = arith.index_cast %mul3A_217 : i32 to index
        %get3A_220 = tpu.vector_load %arg6[%get3A_218, %get3A_219] {strides = array<i32>} : memref<2x4096xi32, #tpu.memory_space<vmem>>, vector<16xi32>,
        %gather3A_221 = tpu.vector_load_idx %arg5[%get3A_220] : memref<100001xf32, #tpu.memory_space<vmem>>[vector<16xi32>], vector<16xf32>,
        %swap3A_222 = arith.constant 3 : i32
        %swap3A_223 = arith.index_cast %swap3A_222 : i32 to index
        %swap3A_224 = arith.index_cast %mul3A_217 : i32 to index
        %swap3A_225 = tpu.vector_load %arg7[%swap3A_223, %swap3A_224] {strides = array<i32>} : memref<4x4096xf32, #tpu.memory_space<vmem>>, vector<16xf32>,
        tpu.vector_store %arg7[%swap3A_223, %swap3A_224], %gather3A_221 {strides = array<i32>} : memref<4x4096xf32, #tpu.memory_space<vmem>>, vector<16xf32>,
        %mul3A_226 = arith.constant 16 : i32
        %mul3A_227 = arith.muli %scan3A_171, %mul3A_226 : i32
        %add3A_228 = arith.constant 4 : i32
        %add3A_229 = arith.addi %mul3A_227, %add3A_228 : i32
        %mul3A_230 = arith.constant 16 : i32
        %mul3A_231 = arith.muli %add3A_229, %mul3A_230 : i32
        %get3A_232 = arith.index_cast %sub3A_162 : i32 to index
        %get3A_233 = arith.index_cast %mul3A_231 : i32 to index
        %get3A_234 = tpu.vector_load %arg6[%get3A_232, %get3A_233] {strides = array<i32>} : memref<2x4096xi32, #tpu.memory_space<vmem>>, vector<16xi32>,
        %gather3A_235 = tpu.vector_load_idx %arg5[%get3A_234] : memref<100001xf32, #tpu.memory_space<vmem>>[vector<16xi32>], vector<16xf32>,
        %swap3A_236 = arith.constant 3 : i32
        %swap3A_237 = arith.index_cast %swap3A_236 : i32 to index
        %swap3A_238 = arith.index_cast %mul3A_231 : i32 to index
        %swap3A_239 = tpu.vector_load %arg7[%swap3A_237, %swap3A_238] {strides = array<i32>} : memref<4x4096xf32, #tpu.memory_space<vmem>>, vector<16xf32>,
        tpu.vector_store %arg7[%swap3A_237, %swap3A_238], %gather3A_235 {strides = array<i32>} : memref<4x4096xf32, #tpu.memory_space<vmem>>, vector<16xf32>,
        %mul3A_240 = arith.constant 16 : i32
        %mul3A_241 = arith.muli %scan3A_171, %mul3A_240 : i32
        %add3A_242 = arith.constant 5 : i32
        %add3A_243 = arith.addi %mul3A_241, %add3A_242 : i32
        %mul3A_244 = arith.constant 16 : i32
        %mul3A_245 = arith.muli %add3A_243, %mul3A_244 : i32
        %get3A_246 = arith.index_cast %sub3A_162 : i32 to index
        %get3A_247 = arith.index_cast %mul3A_245 : i32 to index
        %get3A_248 = tpu.vector_load %arg6[%get3A_246, %get3A_247] {strides = array<i32>} : memref<2x4096xi32, #tpu.memory_space<vmem>>, vector<16xi32>,
        %gather3A_249 = tpu.vector_load_idx %arg5[%get3A_248] : memref<100001xf32, #tpu.memory_space<vmem>>[vector<16xi32>], vector<16xf32>,
        %swap3A_250 = arith.constant 3 : i32
        %swap3A_251 = arith.index_cast %swap3A_250 : i32 to index
        %swap3A_252 = arith.index_cast %mul3A_245 : i32 to index
        %swap3A_253 = tpu.vector_load %arg7[%swap3A_251, %swap3A_252] {strides = array<i32>} : memref<4x4096xf32, #tpu.memory_space<vmem>>, vector<16xf32>,
        tpu.vector_store %arg7[%swap3A_251, %swap3A_252], %gather3A_249 {strides = array<i32>} : memref<4x4096xf32, #tpu.memory_space<vmem>>, vector<16xf32>,
        %mul3A_254 = arith.constant 16 : i32
        %mul3A_255 = arith.muli %scan3A_171, %mul3A_254 : i32
        %add3A_256 = arith.constant 6 : i32
        %add3A_257 = arith.addi %mul3A_255, %add3A_256 : i32
        %mul3A_258 = arith.constant 16 : i32
        %mul3A_259 = arith.muli %add3A_257, %mul3A_258 : i32
        %get3A_260 = arith.index_cast %sub3A_162 : i32 to index
        %get3A_261 = arith.index_cast %mul3A_259 : i32 to index
        %get3A_262 = tpu.vector_load %arg6[%get3A_260, %get3A_261] {strides = array<i32>} : memref<2x4096xi32, #tpu.memory_space<vmem>>, vector<16xi32>,
        %gather3A_263 = tpu.vector_load_idx %arg5[%get3A_262] : memref<100001xf32, #tpu.memory_space<vmem>>[vector<16xi32>], vector<16xf32>,
        %swap3A_264 = arith.constant 3 : i32
        %swap3A_265 = arith.index_cast %swap3A_264 : i32 to index
        %swap3A_266 = arith.index_cast %mul3A_259 : i32 to index
        %swap3A_267 = tpu.vector_load %arg7[%swap3A_265, %swap3A_266] {strides = array<i32>} : memref<4x4096xf32, #tpu.memory_space<vmem>>, vector<16xf32>,
        tpu.vector_store %arg7[%swap3A_265, %swap3A_266], %gather3A_263 {strides = array<i32>} : memref<4x4096xf32, #tpu.memory_space<vmem>>, vector<16xf32>,
        %mul3A_268 = arith.constant 16 : i32
        %mul3A_269 = arith.muli %scan3A_171, %mul3A_268 : i32
        %add3A_270 = arith.constant 7 : i32
        %add3A_271 = arith.addi %mul3A_269, %add3A_270 : i32
        %mul3A_272 = arith.constant 16 : i32
        %mul3A_273 = arith.muli %add3A_271, %mul3A_272 : i32
        %get3A_274 = arith.index_cast %sub3A_162 : i32 to index
        %get3A_275 = arith.index_cast %mul3A_273 : i32 to index
        %get3A_276 = tpu.vector_load %arg6[%get3A_274, %get3A_275] {strides = array<i32>} : memref<2x4096xi32, #tpu.memory_space<vmem>>, vector<16xi32>,
        %gather3A_277 = tpu.vector_load_idx %arg5[%get3A_276] : memref<100001xf32, #tpu.memory_space<vmem>>[vector<16xi32>], vector<16xf32>,
        %swap3A_278 = arith.constant 3 : i32
        %swap3A_279 = arith.index_cast %swap3A_278 : i32 to index
        %swap3A_280 = arith.index_cast %mul3A_273 : i32 to index
        %swap3A_281 = tpu.vector_load %arg7[%swap3A_279, %swap3A_280] {strides = array<i32>} : memref<4x4096xf32, #tpu.memory_space<vmem>>, vector<16xf32>,
        tpu.vector_store %arg7[%swap3A_279, %swap3A_280], %gather3A_277 {strides = array<i32>} : memref<4x4096xf32, #tpu.memory_space<vmem>>, vector<16xf32>,
        %mul3A_282 = arith.constant 16 : i32
        %mul3A_283 = arith.muli %scan3A_171, %mul3A_282 : i32
        %add3A_284 = arith.constant 8 : i32
        %add3A_285 = arith.addi %mul3A_283, %add3A_284 : i32
        %mul3A_286 = arith.constant 16 : i32
        %mul3A_287 = arith.muli %add3A_285, %mul3A_286 : i32
        %get3A_288 = arith.index_cast %sub3A_162 : i32 to index
        %get3A_289 = arith.index_cast %mul3A_287 : i32 to index
        %get3A_290 = tpu.vector_load %arg6[%get3A_288, %get3A_289] {strides = array<i32>} : memref<2x4096xi32, #tpu.memory_space<vmem>>, vector<16xi32>,
        %gather3A_291 = tpu.vector_load_idx %arg5[%get3A_290] : memref<100001xf32, #tpu.memory_space<vmem>>[vector<16xi32>], vector<16xf32>,
        %swap3A_292 = arith.constant 3 : i32
        %swap3A_293 = arith.index_cast %swap3A_292 : i32 to index
        %swap3A_294 = arith.index_cast %mul3A_287 : i32 to index
        %swap3A_295 = tpu.vector_load %arg7[%swap3A_293, %swap3A_294] {strides = array<i32>} : memref<4x4096xf32, #tpu.memory_space<vmem>>, vector<16xf32>,
        tpu.vector_store %arg7[%swap3A_293, %swap3A_294], %gather3A_291 {strides = array<i32>} : memref<4x4096xf32, #tpu.memory_space<vmem>>, vector<16xf32>,
        %mul3A_296 = arith.constant 16 : i32
        %mul3A_297 = arith.muli %scan3A_171, %mul3A_296 : i32
        %add3A_298 = arith.constant 9 : i32
        %add3A_299 = arith.addi %mul3A_297, %add3A_298 : i32
        %mul3A_300 = arith.constant 16 : i32
        %mul3A_301 = arith.muli %add3A_299, %mul3A_300 : i32
        %get3A_302 = arith.index_cast %sub3A_162 : i32 to index
        %get3A_303 = arith.index_cast %mul3A_301 : i32 to index
        %get3A_304 = tpu.vector_load %arg6[%get3A_302, %get3A_303] {strides = array<i32>} : memref<2x4096xi32, #tpu.memory_space<vmem>>, vector<16xi32>,
        %gather3A_305 = tpu.vector_load_idx %arg5[%get3A_304] : memref<100001xf32, #tpu.memory_space<vmem>>[vector<16xi32>], vector<16xf32>,
        %swap3A_306 = arith.constant 3 : i32
        %swap3A_307 = arith.index_cast %swap3A_306 : i32 to index
        %swap3A_308 = arith.index_cast %mul3A_301 : i32 to index
        %swap3A_309 = tpu.vector_load %arg7[%swap3A_307, %swap3A_308] {strides = array<i32>} : memref<4x4096xf32, #tpu.memory_space<vmem>>, vector<16xf32>,
        tpu.vector_store %arg7[%swap3A_307, %swap3A_308], %gather3A_305 {strides = array<i32>} : memref<4x4096xf32, #tpu.memory_space<vmem>>, vector<16xf32>,
        %mul3A_310 = arith.constant 16 : i32
        %mul3A_311 = arith.muli %scan3A_171, %mul3A_310 : i32
        %add3A_312 = arith.constant 10 : i32
        %add3A_313 = arith.addi %mul3A_311, %add3A_312 : i32
        %mul3A_314 = arith.constant 16 : i32
        %mul3A_315 = arith.muli %add3A_313, %mul3A_314 : i32
        %get3A_316 = arith.index_cast %sub3A_162 : i32 to index
        %get3A_317 = arith.index_cast %mul3A_315 : i32 to index
        %get3A_318 = tpu.vector_load %arg6[%get3A_316, %get3A_317] {strides = array<i32>} : memref<2x4096xi32, #tpu.memory_space<vmem>>, vector<16xi32>,
        %gather3A_319 = tpu.vector_load_idx %arg5[%get3A_318] : memref<100001xf32, #tpu.memory_space<vmem>>[vector<16xi32>], vector<16xf32>,
        %swap3A_320 = arith.constant 3 : i32
        %swap3A_321 = arith.index_cast %swap3A_320 : i32 to index
        %swap3A_322 = arith.index_cast %mul3A_315 : i32 to index
        %swap3A_323 = tpu.vector_load %arg7[%swap3A_321, %swap3A_322] {strides = array<i32>} : memref<4x4096xf32, #tpu.memory_space<vmem>>, vector<16xf32>,
        tpu.vector_store %arg7[%swap3A_321, %swap3A_322], %gather3A_319 {strides = array<i32>} : memref<4x4096xf32, #tpu.memory_space<vmem>>, vector<16xf32>,
        %mul3A_324 = arith.constant 16 : i32
        %mul3A_325 = arith.muli %scan3A_171, %mul3A_324 : i32
        %add3A_326 = arith.constant 11 : i32
        %add3A_327 = arith.addi %mul3A_325, %add3A_326 : i32
        %mul3A_328 = arith.constant 16 : i32
        %mul3A_329 = arith.muli %add3A_327, %mul3A_328 : i32
        %get3A_330 = arith.index_cast %sub3A_162 : i32 to index
        %get3A_331 = arith.index_cast %mul3A_329 : i32 to index
        %get3A_332 = tpu.vector_load %arg6[%get3A_330, %get3A_331] {strides = array<i32>} : memref<2x4096xi32, #tpu.memory_space<vmem>>, vector<16xi32>,
        %gather3A_333 = tpu.vector_load_idx %arg5[%get3A_332] : memref<100001xf32, #tpu.memory_space<vmem>>[vector<16xi32>], vector<16xf32>,
        %swap3A_334 = arith.constant 3 : i32
        %swap3A_335 = arith.index_cast %swap3A_334 : i32 to index
        %swap3A_336 = arith.index_cast %mul3A_329 : i32 to index
        %swap3A_337 = tpu.vector_load %arg7[%swap3A_335, %swap3A_336] {strides = array<i32>} : memref<4x4096xf32, #tpu.memory_space<vmem>>, vector<16xf32>,
        tpu.vector_store %arg7[%swap3A_335, %swap3A_336], %gather3A_333 {strides = array<i32>} : memref<4x4096xf32, #tpu.memory_space<vmem>>, vector<16xf32>,
        %mul3A_338 = arith.constant 16 : i32
        %mul3A_339 = arith.muli %scan3A_171, %mul3A_338 : i32
        %add3A_340 = arith.constant 12 : i32
        %add3A_341 = arith.addi %mul3A_339, %add3A_340 : i32
        %mul3A_342 = arith.constant 16 : i32
        %mul3A_343 = arith.muli %add3A_341, %mul3A_342 : i32
        %get3A_344 = arith.index_cast %sub3A_162 : i32 to index
        %get3A_345 = arith.index_cast %mul3A_343 : i32 to index
        %get3A_346 = tpu.vector_load %arg6[%get3A_344, %get3A_345] {strides = array<i32>} : memref<2x4096xi32, #tpu.memory_space<vmem>>, vector<16xi32>,
        %gather3A_347 = tpu.vector_load_idx %arg5[%get3A_346] : memref<100001xf32, #tpu.memory_space<vmem>>[vector<16xi32>], vector<16xf32>,
        %swap3A_348 = arith.constant 3 : i32
        %swap3A_349 = arith.index_cast %swap3A_348 : i32 to index
        %swap3A_350 = arith.index_cast %mul3A_343 : i32 to index
        %swap3A_351 = tpu.vector_load %arg7[%swap3A_349, %swap3A_350] {strides = array<i32>} : memref<4x4096xf32, #tpu.memory_space<vmem>>, vector<16xf32>,
        tpu.vector_store %arg7[%swap3A_349, %swap3A_350], %gather3A_347 {strides = array<i32>} : memref<4x4096xf32, #tpu.memory_space<vmem>>, vector<16xf32>,
        %mul3A_352 = arith.constant 16 : i32
        %mul3A_353 = arith.muli %scan3A_171, %mul3A_352 : i32
        %add3A_354 = arith.constant 13 : i32
        %add3A_355 = arith.addi %mul3A_353, %add3A_354 : i32
        %mul3A_356 = arith.constant 16 : i32
        %mul3A_357 = arith.muli %add3A_355, %mul3A_356 : i32
        %get3A_358 = arith.index_cast %sub3A_162 : i32 to index
        %get3A_359 = arith.index_cast %mul3A_357 : i32 to index
        %get3A_360 = tpu.vector_load %arg6[%get3A_358, %get3A_359] {strides = array<i32>} : memref<2x4096xi32, #tpu.memory_space<vmem>>, vector<16xi32>,
        %gather3A_361 = tpu.vector_load_idx %arg5[%get3A_360] : memref<100001xf32, #tpu.memory_space<vmem>>[vector<16xi32>], vector<16xf32>,
        %swap3A_362 = arith.constant 3 : i32
        %swap3A_363 = arith.index_cast %swap3A_362 : i32 to index
        %swap3A_364 = arith.index_cast %mul3A_357 : i32 to index
        %swap3A_365 = tpu.vector_load %arg7[%swap3A_363, %swap3A_364] {strides = array<i32>} : memref<4x4096xf32, #tpu.memory_space<vmem>>, vector<16xf32>,
        tpu.vector_store %arg7[%swap3A_363, %swap3A_364], %gather3A_361 {strides = array<i32>} : memref<4x4096xf32, #tpu.memory_space<vmem>>, vector<16xf32>,
        %mul3A_366 = arith.constant 16 : i32
        %mul3A_367 = arith.muli %scan3A_171, %mul3A_366 : i32
        %add3A_368 = arith.constant 14 : i32
        %add3A_369 = arith.addi %mul3A_367, %add3A_368 : i32
        %mul3A_370 = arith.constant 16 : i32
        %mul3A_371 = arith.muli %add3A_369, %mul3A_370 : i32
        %get3A_372 = arith.index_cast %sub3A_162 : i32 to index
        %get3A_373 = arith.index_cast %mul3A_371 : i32 to index
        %get3A_374 = tpu.vector_load %arg6[%get3A_372, %get3A_373] {strides = array<i32>} : memref<2x4096xi32, #tpu.memory_space<vmem>>, vector<16xi32>,
        %gather3A_375 = tpu.vector_load_idx %arg5[%get3A_374] : memref<100001xf32, #tpu.memory_space<vmem>>[vector<16xi32>], vector<16xf32>,
        %swap3A_376 = arith.constant 3 : i32
        %swap3A_377 = arith.index_cast %swap3A_376 : i32 to index
        %swap3A_378 = arith.index_cast %mul3A_371 : i32 to index
        %swap3A_379 = tpu.vector_load %arg7[%swap3A_377, %swap3A_378] {strides = array<i32>} : memref<4x4096xf32, #tpu.memory_space<vmem>>, vector<16xf32>,
        tpu.vector_store %arg7[%swap3A_377, %swap3A_378], %gather3A_375 {strides = array<i32>} : memref<4x4096xf32, #tpu.memory_space<vmem>>, vector<16xf32>,
        %mul3A_380 = arith.constant 16 : i32
        %mul3A_381 = arith.muli %scan3A_171, %mul3A_380 : i32
        %add3A_382 = arith.constant 15 : i32
        %add3A_383 = arith.addi %mul3A_381, %add3A_382 : i32
        %mul3A_384 = arith.constant 16 : i32
        %mul3A_385 = arith.muli %add3A_383, %mul3A_384 : i32
        %get3A_386 = arith.index_cast %sub3A_162 : i32 to index
        %get3A_387 = arith.index_cast %mul3A_385 : i32 to index
        %get3A_388 = tpu.vector_load %arg6[%get3A_386, %get3A_387] {strides = array<i32>} : memref<2x4096xi32, #tpu.memory_space<vmem>>, vector<16xi32>,
        %gather3A_389 = tpu.vector_load_idx %arg5[%get3A_388] : memref<100001xf32, #tpu.memory_space<vmem>>[vector<16xi32>], vector<16xf32>,
        %swap3A_390 = arith.constant 3 : i32
        %swap3A_391 = arith.index_cast %swap3A_390 : i32 to index
        %swap3A_392 = arith.index_cast %mul3A_385 : i32 to index
        %swap3A_393 = tpu.vector_load %arg7[%swap3A_391, %swap3A_392] {strides = array<i32>} : memref<4x4096xf32, #tpu.memory_space<vmem>>, vector<16xf32>,
        tpu.vector_store %arg7[%swap3A_391, %swap3A_392], %gather3A_389 {strides = array<i32>} : memref<4x4096xf32, #tpu.memory_space<vmem>>, vector<16xf32>,
        %scan3A_394 = arith.constant 0 : i32
        scf.yield %scan3A_394 : i32
      }
      %scan3A_169 = arith.constant 16 : i32
      "tpu.region"() ({
        %run_scoped3A_171 = tpu.sem_alloc : memref<!tpu.dma_semaphore, #tpu.memory_space<semaphore_mem>>
        %dma_start3A = arith.constant 0 : i32
        %dma_start3A_172 = tpu.memref_slice %arg4[%add3A_33, %dma_start3A] : memref<1664x4096xf32, #tpu.memory_space<hbm>> -> memref<4x4096xf32, #tpu.memory_space<hbm>>
        %dma_start3A_173 = arith.constant 0 : i32
        %dma_start3A_174 = tpu.memref_slice %arg4[%add3A_33, %dma_start3A_173] : memref<1664x4096xf32, #tpu.memory_space<hbm>> -> memref<4x4096xf32, #tpu.memory_space<hbm>>
        tpu.enqueue_dma source(%arg7 : memref<4x4096xf32, #tpu.memory_space<vmem>>) target(%dma_start3A_174 : memref<4x4096xf32, #tpu.memory_space<hbm>>) target_semaphore(%run_scoped3A_171 : memref<!tpu.dma_semaphore, #tpu.memory_space<semaphore_mem>>)
        %dma_wait3A = arith.constant 0 : i32
        %dma_wait3A_175 = tpu.memref_slice %arg4[%add3A_33, %dma_wait3A] : memref<1664x4096xf32, #tpu.memory_space<hbm>> -> memref<4x4096xf32, #tpu.memory_space<hbm>>
        %dma_wait3A_176 = arith.constant 0 : i32
        %dma_wait3A_177 = tpu.memref_slice %arg4[%add3A_33, %dma_wait3A_176] : memref<1664x4096xf32, #tpu.memory_space<hbm>> -> memref<4x4096xf32, #tpu.memory_space<hbm>>
        tpu.wait_dma2 semaphore(%run_scoped3A_171 : memref<!tpu.dma_semaphore, #tpu.memory_space<semaphore_mem>>) src(%arg7 : memref<4x4096xf32, #tpu.memory_space<vmem>>) dst(%dma_wait3A_177 : memref<4x4096xf32, #tpu.memory_space<hbm>>)
        tpu.yield
      }) : () -> ()
      %scan3A_170 = arith.constant 0 : i32
      scf.yield %scan3A_170 : i32
    }
    %scan3A_28 = arith.constant 13 : i32
    return
  }
}

</mosaic_0001>

<sc_bundles>
// kernel: kernel.3.cloned.1.call-start
scs
__scs_entry_jumppad:
0x0: {  	(pc) =	sbr.rel $0x88, $3  }
0x1: {  	(tag) =	ssettag $0x0;
	lr =	simm.s32 $0x1  }
0x2: {  	[smem:$0x3F9F] =	sst lr;
	_ =	strace $0xD0000000  }
0x3: {  	_ = 	snop  }
0x4: {  	_ = 	snop  }
0x5: {  	_ = 	snop  }
0x6: {  	_ = 	snop  }
0x7: {  	_ = 	snop  }
__scs_overlays_trampoline_lowered:
0x8: {  	[smem:$0x3FAE] =	sst s0  }
0x9: {  	[smem:$0x3FAF] =	sst s1  }
0xa: {  	[smem:$0x3FB0] =	sst s2  }
0xb: {  	[smem:$0x3FB1] =	sst s3  }
0xc: {  	[smem:$0x3FB2] =	sst s4  }
0xd: {  	[smem:$0x3FB3] =	sst s5  }
0xe: {  	[smem:$0x3FB4] =	sst s6  }
0xf: {  	[smem:$0x3FB5] =	sst s7  }
0x10: {  	[smem:$0x3FB6] =	sst s8  }
0x11: {  	[smem:$0x3FB7] =	sst s9;
	s0 =	simm.s32 @!p0 $0x0  }
0x12: {  	s1 =	sld [smem:$0x3F9D];
	s0 =	simm.s32 @p0 $0x1  }
0x13: {  	[smem:$0x3FB8] =	sst s0;
	s0 =	simm.s32 @!p1 $0x0  }
0x14: {  	s2 =	sld [smem:$0x3F9C];
	s0 =	simm.s32 @p1 $0x1  }
0x15: {  	[smem:$0x3FB9] =	sst s0;
	s0 =	simm.s32 @!p2 $0x0  }
0x16: {  	s3 =	sld [smem:$0x3FDB];
	s0 =	simm.s32 @p2 $0x1  }
0x17: {  	s4 =	simm.s32 $0x1BF5;
	[smem:$0x3FBB] =	sst s0  }
0x18: {  	s0 =	sld [smem:$0x3F9E];
	_ =	swait.ge [sflag:s4], $0x0  }
0x19: {  	s7 =	sld [smem:$0x3F9F]  }
0x1a: {  	s8 =	sadd.s32 $0xFFFFE003, lr  }
0x1b: {  	s9 =	sadd.s32 $0xFFFFFEF7, lr;
	s5 =	simm.s32 $0xFFFFFFFF;
	p2 =	slt.u32 s8, $0xFFFFF086  }
0x1c: {  	p1 =	slt.u32 s9, $0xF7A;
	s5 =	simm.s32 @!p2 $0x0  }
0x1d: {  	s5 =	simm.s32 @p1 $0x1;
	p0 =	seq.s32 s7, s2  }
0x1e: {  	s7 =	smul.u32 @!p0 $0xF7A, s2;
	p2 =	seq.s32 @!p0 s5, $0x0  }
0x1f: {  	s9 =	smul.u32 $0xF7A, s1;
	s8 =	simm.s32 @!p0 $0x1BF5;
	p2 =	por !p2, p0  }
0x20: {  	[sflag:s8] =	ssyncset.s32 @!p0 $0xFFFFF086;
	s6 =	sadd.s32 @!p0 s3, s7;
	s7 =	simm.s32 @!p0 $0x108  }
0x21: {  	s3 =	sadd.s32 s3, s9;
	s6 =	sadd.s32 @!p0 $0x88, s6;
	s7 =	simm.s32 @p2 $0x1082  }
0x22: {  	[simem:s7], [sflag:s8] =	dma.local @!p0 [hbm:s6], $0xF7A  }
0x23: {  	s9 =	sor.u32 $0xD0000000, s2;
	s6 =	simm.s32 $0x108;
	_ =	swait.ge @!p0 [sflag:s8], $0x0  }
0x24: {  	s3 =	sadd.s32 $0x88, s3;
	s6 =	simm.s32 @!p1 $0x1082;
	[sflag:s4] =	ssyncset.s32 $0xFFFFF086  }
0x25: {  	[simem:s6], [sflag:s4] =	dma.local [hbm:s3], $0xF7A  }
0x26: {  	[smem:$0x3F9F] =	sst s1;
	(tag) =	ssettag s2;
	_ =	strace s9  }
0x27: {  	s1 =	sld [smem:$0x3FAF]  }
0x28: {  	s2 =	sld [smem:$0x3FB0]  }
0x29: {  	s4 =	sld [smem:$0x3FB2]  }
0x2a: {  	p0 =	seq.s32 s5, $0x0;
	s5 =	sld [smem:$0x3FB3]  }
0x2b: {  	s6 =	sld [smem:$0x3FB4]  }
0x2c: {  	s7 =	sld [smem:$0x3FB5]  }
0x2d: {  	s3 =	simm.s32 $0x108;
	s8 =	sld [smem:$0x3FB6]  }
0x2e: {  	s3 =	simm.s32 @!p0 $0x1082;
	s9 =	sld [smem:$0x3FB7]  }
0x2f: {  	lr =	sadd.s32 s0, s3;
	s0 =	sld [smem:$0x3FAE]  }
0x30: {  	s3 =	sld [smem:$0x3FB1]  }
0x31: {  	[smem:$0x3FBA] =	sst s10  }
0x32: {  	s10 =	sld [smem:$0x3FB8];
	_ =	sdelay $0x3  }
0x33: {  	p0 =	seq.s32 s10, $0x1;
	s10 =	sld [smem:$0x3FBA];
	_ =	sdelay $0x3  }
0x34: {  	[smem:$0x3FBA] =	sst s10  }
0x35: {  	s10 =	sld [smem:$0x3FB9];
	_ =	sdelay $0x3  }
0x36: {  	p1 =	seq.s32 s10, $0x1;
	s10 =	sld [smem:$0x3FBA];
	_ =	sdelay $0x3  }
0x37: {  	[smem:$0x3FBA] =	sst s10  }
0x38: {  	s10 =	sld [smem:$0x3FBB]  }
0x39: {  	_ = 	snop;
	(pc) =	sbr.ind lr, $3  }
0x3a: {  	_ = 	snop  }
0x3b: {  	_ = 	snop  }
0x3c: {  	p2 =	seq.s32 s10, $0x1;
	s10 =	sld [smem:$0x3FBA]  }
0x3d: {  	_ =	shalt  }
0x3e: {  	_ =	shalt  }
0x3f: {  	_ =	shalt  }
0x40: {  	_ =	shalt  }
0x41: {  	_ =	shalt  }
0x42: {  	_ =	shalt  }
0x43: {  	_ =	shalt  }
0x44: {  	_ =	shalt  }
0x45: {  	_ =	shalt  }
0x46: {  	_ =	shalt  }
0x47: {  	_ =	shalt  }
0x48: {  	_ =	shalt  }
0x49: {  	_ =	shalt  }
0x4a: {  	_ =	shalt  }
0x4b: {  	_ =	shalt  }
0x4c: {  	_ =	shalt  }
0x4d: {  	_ =	shalt  }
0x4e: {  	_ =	shalt  }
0x4f: {  	_ =	shalt  }
0x50: {  	_ =	shalt  }
0x51: {  	_ =	shalt  }
0x52: {  	_ =	shalt  }
0x53: {  	_ =	shalt  }
0x54: {  	_ =	shalt  }
0x55: {  	_ =	shalt  }
0x56: {  	_ =	shalt  }
0x57: {  	_ =	shalt  }
0x58: {  	_ =	shalt  }
0x59: {  	_ =	shalt  }
0x5a: {  	_ =	shalt  }
0x5b: {  	_ =	shalt  }
0x5c: {  	_ =	shalt  }
0x5d: {  	_ =	shalt  }
0x5e: {  	_ =	shalt  }
0x5f: {  	_ =	shalt  }
0x60: {  	_ =	shalt  }
0x61: {  	_ =	shalt  }
0x62: {  	_ =	shalt  }
0x63: {  	_ =	shalt  }
0x64: {  	_ =	shalt  }
0x65: {  	_ =	shalt  }
0x66: {  	_ =	shalt  }
0x67: {  	_ =	shalt  }
0x68: {  	_ =	shalt  }
0x69: {  	_ =	shalt  }
0x6a: {  	_ =	shalt  }
0x6b: {  	_ =	shalt  }
0x6c: {  	_ =	shalt  }
0x6d: {  	_ =	shalt  }
0x6e: {  	_ =	shalt  }
0x6f: {  	_ =	shalt  }
0x70: {  	_ =	shalt  }
0x71: {  	_ =	shalt  }
0x72: {  	_ =	shalt  }
0x73: {  	_ =	shalt  }
0x74: {  	_ =	shalt  }
0x75: {  	_ =	shalt  }
0x76: {  	_ =	shalt  }
0x77: {  	_ =	shalt  }
0x78: {  	_ =	shalt  }
0x79: {  	_ =	shalt  }
0x7a: {  	_ =	shalt  }
0x7b: {  	_ =	shalt  }
0x7c: {  	_ =	shalt  }
0x7d: {  	_ =	shalt  }
0x7e: {  	_ =	shalt  }
0x7f: {  	_ =	shalt  }
0x80: {  	_ =	shalt  }
0x81: {  	_ =	shalt  }
0x82: {  	_ =	shalt  }
0x83: {  	_ =	shalt  }
0x84: {  	_ =	shalt  }
0x85: {  	_ =	shalt  }
0x86: {  	_ =	shalt  }
0x87: {  	_ =	shalt  }
.Lfunc_end0:
.L_simem_size_0:
called_computation_lowered:
.L_overlay_start_0:
0x88: {  	s2 =	sld [smem:$0x3FD9]  }
0x89: {  	s3 =	sld [smem:$0x3FFE];
	_ =	sdelay $0x1  }
0x8a: {  	s1 =	srdreg.scid  }
0x8b: {  	s0 =	sand.u32 $0x1, s1  }
0x8c: {  	s18 =	sshll.u32 s0, $0xA;
	s2 =	sadd.s32 s3, s2  }
0x8d: {  	s2 =	sadd.s32 s2, s18  }
0x8e: {  	[smem:$0x3FC6] =	sst s2  }
0x8f: {  	_ = 	snop  }
0x90: {  	s2 =	sld [smem:$0x3FC9]  }
0x91: {  	s19 =	sld [smem:$0x3FC8]  }
0x92: {  	s4 =	sld [smem:$0x3FD0];
	(tm) =	ssettm $0x1  }
0x93: {  	s5 =	sld [smem:$0x3FFB];
	_ =	sdelay $0x3  }
0x94: {  	_ =	strace s5  }
0x95: {  	s5 =	sld [smem:$0x3FFC];
	_ =	sdelay $0x3  }
0x96: {  	_ =	strace s5  }
0x97: {  	s5 =	sld [smem:$0x3FFD];
	_ =	sdelay $0x3  }
0x98: {  	_ =	strace s5  }
0x99: {  	_ =	strace $0x8FFFFFFF  }
0x9a: {  	s20 =	sld [smem:$0x3FDB];
	_ =	sdelay $0x1  }
0x9b: {  	s6 =	simm.s32 $_scs_section_size  }
0x9c: {  	s7 =	simm.s32 $_size__tile_overlayer_lowered;
	s8 =	simm.s32 $_tile_overlayer_lowered  }
0x9d: {  	s23 =	simm.s32 $0x1BFF;
	s22 =	sshll.u32 s8, $0x1;
	s5 =	sadd.s32 s6, s20  }
0x9e: {  	s9 =	simm.s32 $0x0;
	s21 =	sshll.u32 s7, $0x1;
	s7 =	sadd.s32 s22, s5  }
0x9f: {  	[timem:s9], [sflag:s23] =	dma.local [hbm:s7], s21  }
0xa0: {  	_ =	swait.ge [sflag:s23], s21  }
0xa1: {  	s6 =	ssub.s32 $0x0, s21;
	[sflag:s23] =	ssyncset.done $0x0  }
0xa2: {  	[sflag:s23] =	ssyncadd.s32 s6;
	_ =	sdelay $0x1  }
0xa3: {  	s24 =	simm.s32 $0x1B8B  }
0xa4: {  	_ =	swait.ge [sflag:s24], $0x1  }
0xa5: {  	[sflag:s24] =	ssyncset.done $0x0  }
0xa6: {  	s25 =	simm.s32 $0x1B8E;
	[sflag:s24] =	ssyncadd.s32 $0xFFFFFFFF  }
0xa7: {  	s26 =	simm.s32 $execute0_lowered;
	[smem:$0x3FD2] =	sst s25  }
0xa8: {  	s6 =	sshll.u32 s26, $0x1;
	_ =	strace $0x80000046;
	[dreg:$0x1] =	wrdreg $0xFFFFFFFF  }
0xa9: {  	s28 =	simm.s32 $_size_execute0_lowered;
	s5 =	sadd.s32 s5, s6;
	[dreg:$0x0] =	wrdreg $0x0  }
0xaa: {  	s6 =	sshll.u32 s28, $0x1;
	[dreg:$0x2] =	wrdreg s5  }
0xab: {  	[dreg:$0x3] =	wrdreg s6  }
0xac: {  	[dreg:$0x4] =	wrdreg $0xC0  }
0xad: {  	_ =	task [dreg:s9], $0x5FFFF  }
0xae: {  	[dreg:$0x1] =	wrdreg $0xFFFFFFFF  }
0xaf: {  	[dreg:$0x0] =	wrdreg $0x60  }
0xb0: {  	[dreg:$0x2] =	wrdreg s2  }
0xb1: {  	[dreg:$0x3] =	wrdreg s19  }
0xb2: {  	[dreg:$0x4] =	wrdreg s4  }
0xb3: {  	[dreg:$0x5] =	wrdreg $0x9  }
0xb4: {  	_ =	task.clear_ibuf [dreg:s9], $0x6FFFF;
	_ =	strace $0x90000046  }
0xb5: {  	s29 =	simm.s32 $0x9;
	_ =	strace $0x80000048  }
0xb6: {  	_ =	swait.ge [sflag:s29], $0x1  }
0xb7: {  	[sflag:s29] =	ssyncadd.s32 $0xFFFFFFFF  }
0xb8: {  	_ =	strace $0x90000048  }
0xb9: {  	_ =	sfence  }
0xba: {  	s30 =	sld [smem:$0x0];
	_ =	sdelay $0x2  }
0xbb: {  	s31 =	sshll.u32 s1, $0xD;
	s1 =	sshrl.u32 s1, $0x2  }
0xbc: {  	s3 =	sand.u32 $0x4000, s31;
	s1 =	sadd.s32 s1, s30  }
0xbd: {  	s0 =	sor.u32 s3, s0;
	s1 =	sshll.u32 s1, $0x11  }
0xbe: {  	s0 =	sor.u32 s1, s0  }
0xbf: {  	s0 =	sadd.s32 $0x8F2B, s0  }
0xc0: {  	[sflag:s0] =	ssyncadd.remote.s32 $0x1  }
0xc1: {  	_ =	sfence.sel $0xFFFF  }
0xc2: {  	[dreg:$0x0] =	wrdreg $0xFFFFFFFF;
	(pc) =	sbr.abs _section_cstart, $3  }
0xc3: {  	[dreg:$0x1] =	wrdreg $0xFFFFFFFF  }
0xc4: {  	_ =	task.clear_ibuf [dreg:s9], $0x2FFFF;
	_ =	strace $0x9FFFFFFF  }
0xc5: {  	(tm) =	ssettm $0x7FFFFFFF  }
tec
execute0_lowered:
.L_overlay_start_1:
0x0: {  	(tag) =	ssettag $0x1  }
0x1: {  	s8 =	rddreg [dreg:$0x0];
	s1 =	srdreg.scid  }
0x2: {  	s0 =	stileid.u32;
	s2 =	rddreg [dreg:$0x1]  }
0x3: {  	s3 =	rddreg [dreg:$0x2];
	s4 =	simm.s32 $0x0;
	s15 =	simm.s32 $0x200  }
0x4: {  	s16 =	simm.s32 $0x1A700;
	s17 =	simm.s32 $0x0;
	s6 =	sand.u32 $0x1, s1  }
0x5: {  	s25 =	sshll.u32 s0, $0x1;
	s1 =	rddreg [dreg:$0x3];
	s13 =	smul.u32 $0x68, s0  }
0x6: {  	s5 =	sor.u32 s6, s25;
	s7 =	ssub.s32 $0x2, s6;
	s14 =	smul.u32 $0x34, s6  }
0x7: {  	[smem:$0x7FF] =	sst s4;
	s5 =	smul.u32 $0x34, s5;
	s9 =	sshrl.u32 s7, $0x1  }
0x8: {  	_ =	strace $0x80000047;
	s9 =	ssub.s32 s7, s9;
	s7 =	sadd.s32 s14, s13  }
0x9: {  	s13 =	simm.s32 $0x80;
	s14 =	simm.s32 $0x400;
	s10 =	sshll.u32 s5, $0x3  }
0xa: {  	s11 =	sshrl.u32 s5, $0x6;
	s12 =	sshrl.u32 s5, $0x2;
	s30 =	sshrl.u32 s7, $0x6  }
0xb: {  	s9 =	smax.u32 s9, $0x1;
	s12 =	sand.u32 $0x70, s12;
	s11 =	smin.u32 s11, $0x18  }
0xc: {  	s10 =	sand.u32 $0x3000, s10;
	s12 =	sadd.s32 s8, s12;
	s11 =	sadd.s32 $0x1, s11  }
0xd: {  	s31 =	sshll.u32 s30, $0xC;
	s6 =	sadd.s32 s10, s12;
	s26 =	sshll.u32 s11, $0x4  }
0xe: {  	s28 =	sshll.u32 s11, $0x9;
	s11 =	sshll.u32 s30, $0x7;
	s29 =	sand.u32 $0x70, s26  }
0xf: {  	s12 =	simm.s32 $0x1;
	s10 =	sand.u32 $0x7000, s28;
	s8 =	sadd.s32 s8, s29  }
0x10: {  	s11 =	ssub.s32 $0x0, s11;
	s8 =	sadd.s32 s10, s8;
	s10 =	ssub.s32 $0x0, s31  }
.LBB2_1:
0x11: {  	s18 =	simm.s32 $0x18700  }
0x12: {  	s19 =	simm.s32 $0x80;
	s21 =	sadd.s32 $0x0, s6;
	s20 =	simm.s32 $0x18800  }
.LBB2_2:
0x13: {  	[tilespmem:s18], [sflag:$0x1] =	stream.linear.gather [hbm4b:s21+s4], $0x80, $0x38;
	[tilespmem:$0x1E700] =	vst v63  }
0x14: {  	s21 =	smov.u32 s19;
	s18 =	smov.u32 s20;
	p0 =	sne.s32 s19, $0xF80  }
.Ltmp0:
0x15: {  	s19 =	sadd.s32 $0x80, s19;
	(pc) =	sbr.rel @p0 .LBB2_2-.Ltmp0, $2  }
0x16: {  	_ =	sdelay $0x2  }
0x17: {  	s20 =	sadd.s32 $0x100, s20;
	s21 =	sadd.s32 s21, s6  }
0x18: {  	[tilespmem:s18], [sflag:$0x1] =	stream.linear.gather [hbm4b:s21+s4], $0x80, $0x38;
	[tilespmem:$0x1E700] =	vst v63  }
0x19: {  	_ =	swait.ge [sflag:s12], $0x1000  }
0x1a: {  	s18 =	simm.s32 $0x18780;
	s19 =	simm.s32 $0x80;
	[sflag:s12] =	ssyncset.done $0x0  }
0x1b: {  	s21 =	sadd.s32 $0x0, s8;
	s20 =	simm.s32 $0x18880;
	[sflag:s12] =	ssyncadd.s32 $0xFFFFF000  }
.LBB2_4:
0x1c: {  	[tilespmem:s18], [sflag:$0x1] =	stream.linear.gather [hbm4b:s21+s4], $0x80, $0x38;
	[tilespmem:$0x1E700] =	vst v63  }
0x1d: {  	s21 =	smov.u32 s19;
	s18 =	smov.u32 s20;
	p0 =	sne.s32 s19, $0xF80  }
.Ltmp1:
0x1e: {  	s19 =	sadd.s32 $0x80, s19;
	(pc) =	sbr.rel @p0 .LBB2_4-.Ltmp1, $2  }
0x1f: {  	_ =	sdelay $0x2  }
0x20: {  	s20 =	sadd.s32 $0x100, s20;
	s21 =	sadd.s32 s21, s8  }
0x21: {  	[tilespmem:s18], [sflag:$0x1] =	stream.linear.gather [hbm4b:s21+s4], $0x80, $0x38;
	[tilespmem:$0x1E700] =	vst v63  }
0x22: {  	_ =	swait.ge [sflag:s12], $0x1000  }
0x23: {  	s18 =	simm.s32 $0x0;
	[sflag:s12] =	ssyncset.done $0x0  }
0x24: {  	s19 =	smov.u32 s7;
	s20 =	simm.s32 $0x0;
	[sflag:s12] =	ssyncadd.s32 $0xFFFFF000  }
.LBB2_6:
0x25: {  	s21 =	sshll.u32 s20, $0x2  }
0x26: {  	s22 =	sshrl.u32 s19, $0x6;
	s23 =	sadd.s32 s5, s21  }
0x27: {  	s24 =	sshll.u32 s22, $0xC;
	s22 =	sshll.u32 s22, $0x7;
	s21 =	sshrl.u32 s23, $0x3  }
0x28: {  	s23 =	sshll.u32 s23, $0x7;
	s24 =	sadd.s32 s24, s10;
	s26 =	sadd.s32 s22, s11  }
0x29: {  	s25 =	smul.u32 $0xC3800, s21;
	s28 =	sshll.u32 s24, $0x2;
	s29 =	sshll.u32 s26, $0x2  }
0x2a: {  	s22 =	sand.u32 $0x200, s23;
	s30 =	sand.u32 $0xFFFF8000, s28;
	s24 =	sand.u32 $0x200, s29  }
0x2b: {  	s25 =	sor.u32 s22, s25;
	s24 =	sor.u32 s24, s30  }
0x2c: {  	s23 =	sshrl.u32 s25, $0x3;
	s24 =	sshra.s32 s24, $0x2  }
0x2d: {  	s25 =	sadd.s32 s2, s23;
	s31 =	sadd.s32 $0x18800, s24  }
0x2e: {  	[tilespmem:s18], [sflag:$0x1] =	stream.strided.gather [hbm4b:s25+s13], $0x18700, s14, s13, $0x38;
	v0 =	vmov s31;
	[tilespmem:$0x1E700] =	vst v63  }
0x2f: {  	_ =	swait.ge [sflag:s12], $0x18700  }
0x30: {  	[sflag:s12] =	ssyncset.done $0x0  }
0x31: {  	s24 =	simm.s32 $0x1A900;
	s25 =	simm.s32 $0x0;
	[sflag:s12] =	ssyncadd.s32 $0xFFFE7900  }
.LBB2_7:
0x32: {  	s26 =	sshra.s32 s25, $0x2  }
0x33: {  	v1 =	vld.idx.msk [tilespmem:v0+s26+$0xFFFFFF00 ss:$0x1], $0xffff;
	_ =	sdelay $0x7  }
0x34: {  	v1 =	vld.idx.msk [tilespmem:v1+s4+$0x0], $0xffff;
	_ =	sdelay $0x4  }
0x35: {  	[tilespmem:s24+$0xFFFFFE00] =	vst v1  }
0x36: {  	v1 =	vld.idx.msk [tilespmem:v0+s26+$0xFFFFFF10 ss:$0x1], $0xffff;
	_ =	sdelay $0x7  }
0x37: {  	v1 =	vld.idx.msk [tilespmem:v1+s4+$0x0], $0xffff;
	_ =	sdelay $0x4  }
0x38: {  	[tilespmem:s24+$0xFFFFFE10] =	vst v1  }
0x39: {  	v1 =	vld.idx.msk [tilespmem:v0+s26+$0xFFFFFF20 ss:$0x1], $0xffff;
	_ =	sdelay $0x7  }
0x3a: {  	v1 =	vld.idx.msk [tilespmem:v1+s4+$0x0], $0xffff;
	_ =	sdelay $0x4  }
0x3b: {  	[tilespmem:s24+$0xFFFFFE20] =	vst v1  }
0x3c: {  	v1 =	vld.idx.msk [tilespmem:v0+s26+$0xFFFFFF30 ss:$0x1], $0xffff;
	_ =	sdelay $0x7  }
0x3d: {  	v1 =	vld.idx.msk [tilespmem:v1+s4+$0x0], $0xffff;
	_ =	sdelay $0x4  }
0x3e: {  	[tilespmem:s24+$0xFFFFFE30] =	vst v1  }
0x3f: {  	v1 =	vld.idx.msk [tilespmem:v0+s26+$0xFFFFFF40 ss:$0x1], $0xffff;
	_ =	sdelay $0x7  }
0x40: {  	v1 =	vld.idx.msk [tilespmem:v1+s4+$0x0], $0xffff;
	_ =	sdelay $0x4  }
0x41: {  	[tilespmem:s24+$0xFFFFFE40] =	vst v1  }
0x42: {  	v1 =	vld.idx.msk [tilespmem:v0+s26+$0xFFFFFF50 ss:$0x1], $0xffff;
	_ =	sdelay $0x7  }
0x43: {  	v1 =	vld.idx.msk [tilespmem:v1+s4+$0x0], $0xffff;
	_ =	sdelay $0x4  }
0x44: {  	[tilespmem:s24+$0xFFFFFE50] =	vst v1  }
0x45: {  	v1 =	vld.idx.msk [tilespmem:v0+s26+$0xFFFFFF60 ss:$0x1], $0xffff;
	_ =	sdelay $0x7  }
0x46: {  	v1 =	vld.idx.msk [tilespmem:v1+s4+$0x0], $0xffff;
	_ =	sdelay $0x4  }
0x47: {  	[tilespmem:s24+$0xFFFFFE60] =	vst v1  }
0x48: {  	v1 =	vld.idx.msk [tilespmem:v0+s26+$0xFFFFFF70 ss:$0x1], $0xffff;
	_ =	sdelay $0x7  }
0x49: {  	v1 =	vld.idx.msk [tilespmem:v1+s4+$0x0], $0xffff;
	_ =	sdelay $0x4  }
0x4a: {  	[tilespmem:s24+$0xFFFFFE70] =	vst v1  }
0x4b: {  	v1 =	vld.idx.msk [tilespmem:v0+s26+$0x0 ss:$0x1], $0xffff;
	_ =	sdelay $0x7  }
0x4c: {  	v1 =	vld.idx.msk [tilespmem:v1+s4+$0x0], $0xffff;
	_ =	sdelay $0x4  }
0x4d: {  	[tilespmem:s24+$0x0] =	vst v1  }
0x4e: {  	v1 =	vld.idx.msk [tilespmem:v0+s26+$0x10 ss:$0x1], $0xffff;
	_ =	sdelay $0x7  }
0x4f: {  	v1 =	vld.idx.msk [tilespmem:v1+s4+$0x0], $0xffff;
	_ =	sdelay $0x4  }
0x50: {  	[tilespmem:s24+$0x10] =	vst v1  }
0x51: {  	v1 =	vld.idx.msk [tilespmem:v0+s26+$0x20 ss:$0x1], $0xffff;
	_ =	sdelay $0x7  }
0x52: {  	v1 =	vld.idx.msk [tilespmem:v1+s4+$0x0], $0xffff;
	_ =	sdelay $0x4  }
0x53: {  	[tilespmem:s24+$0x20] =	vst v1  }
0x54: {  	v1 =	vld.idx.msk [tilespmem:v0+s26+$0x30 ss:$0x1], $0xffff;
	_ =	sdelay $0x7  }
0x55: {  	v1 =	vld.idx.msk [tilespmem:v1+s4+$0x0], $0xffff;
	_ =	sdelay $0x4  }
0x56: {  	[tilespmem:s24+$0x30] =	vst v1  }
0x57: {  	v1 =	vld.idx.msk [tilespmem:v0+s26+$0x40 ss:$0x1], $0xffff;
	_ =	sdelay $0x7  }
0x58: {  	v1 =	vld.idx.msk [tilespmem:v1+s4+$0x0], $0xffff;
	_ =	sdelay $0x4  }
0x59: {  	[tilespmem:s24+$0x40] =	vst v1  }
0x5a: {  	v1 =	vld.idx.msk [tilespmem:v0+s26+$0x50 ss:$0x1], $0xffff;
	_ =	sdelay $0x7  }
0x5b: {  	v1 =	vld.idx.msk [tilespmem:v1+s4+$0x0], $0xffff;
	_ =	sdelay $0x4  }
0x5c: {  	[tilespmem:s24+$0x50] =	vst v1  }
0x5d: {  	v1 =	vld.idx.msk [tilespmem:v0+s26+$0x60 ss:$0x1], $0xffff;
	_ =	sdelay $0x7  }
0x5e: {  	v1 =	vld.idx.msk [tilespmem:v1+s4+$0x0], $0xffff;
	_ =	sdelay $0x4  }
0x5f: {  	[tilespmem:s24+$0x60] =	vst v1  }
0x60: {  	v1 =	vld.idx.msk [tilespmem:v0+s26+$0x70 ss:$0x1], $0xffff;
	_ =	sdelay $0x7  }
0x61: {  	p0 =	sne.s32 s25, $0x7800;
	v1 =	vld.idx.msk [tilespmem:v1+s4+$0x0], $0xffff  }
.Ltmp2:
0x62: {  	_ = 	snop;
	(pc) =	sbr.rel @p0 .LBB2_7-.Ltmp2, $2  }
0x63: {  	_ =	sdelay $0x2  }
0x64: {  	s25 =	sadd.s32 $0x800, s25;
	[tilespmem:s24+$0x70] =	vst v1;
	s24 =	sadd.s32 $0x400, s24  }
0x65: {  	s23 =	sadd.s32 s23, s2  }
0x66: {  	s24 =	simm.s32 $0x0;
	s25 =	sadd.s32 $0x10, s23  }
0x67: {  	[tilespmem:s24], [sflag:$0x1] =	stream.strided.gather [hbm4b:s25+s13], $0x18700, s14, s13, $0x38;
	[tilespmem:$0x1E700] =	vst v63  }
0x68: {  	_ =	swait.ge [sflag:s12], $0x18700  }
0x69: {  	[sflag:s12] =	ssyncset.done $0x0  }
0x6a: {  	s25 =	simm.s32 $0x1A980;
	[sflag:s12] =	ssyncadd.s32 $0xFFFE7900  }
.LBB2_9:
0x6b: {  	s26 =	sshra.s32 s24, $0x2  }
0x6c: {  	v1 =	vld.idx.msk [tilespmem:v0+s26+$0xFFFFFF00 ss:$0x1], $0xffff;
	_ =	sdelay $0x7  }
0x6d: {  	v1 =	vld.idx.msk [tilespmem:v1+s4+$0x0], $0xffff;
	_ =	sdelay $0x4  }
0x6e: {  	[tilespmem:s25+$0xFFFFFE00] =	vst v1  }
0x6f: {  	v1 =	vld.idx.msk [tilespmem:v0+s26+$0xFFFFFF10 ss:$0x1], $0xffff;
	_ =	sdelay $0x7  }
0x70: {  	v1 =	vld.idx.msk [tilespmem:v1+s4+$0x0], $0xffff;
	_ =	sdelay $0x4  }
0x71: {  	[tilespmem:s25+$0xFFFFFE10] =	vst v1  }
0x72: {  	v1 =	vld.idx.msk [tilespmem:v0+s26+$0xFFFFFF20 ss:$0x1], $0xffff;
	_ =	sdelay $0x7  }
0x73: {  	v1 =	vld.idx.msk [tilespmem:v1+s4+$0x0], $0xffff;
	_ =	sdelay $0x4  }
0x74: {  	[tilespmem:s25+$0xFFFFFE20] =	vst v1  }
0x75: {  	v1 =	vld.idx.msk [tilespmem:v0+s26+$0xFFFFFF30 ss:$0x1], $0xffff;
	_ =	sdelay $0x7  }
0x76: {  	v1 =	vld.idx.msk [tilespmem:v1+s4+$0x0], $0xffff;
	_ =	sdelay $0x4  }
0x77: {  	[tilespmem:s25+$0xFFFFFE30] =	vst v1  }
0x78: {  	v1 =	vld.idx.msk [tilespmem:v0+s26+$0xFFFFFF40 ss:$0x1], $0xffff;
	_ =	sdelay $0x7  }
0x79: {  	v1 =	vld.idx.msk [tilespmem:v1+s4+$0x0], $0xffff;
	_ =	sdelay $0x4  }
0x7a: {  	[tilespmem:s25+$0xFFFFFE40] =	vst v1  }
0x7b: {  	v1 =	vld.idx.msk [tilespmem:v0+s26+$0xFFFFFF50 ss:$0x1], $0xffff;
	_ =	sdelay $0x7  }
0x7c: {  	v1 =	vld.idx.msk [tilespmem:v1+s4+$0x0], $0xffff;
	_ =	sdelay $0x4  }
0x7d: {  	[tilespmem:s25+$0xFFFFFE50] =	vst v1  }
0x7e: {  	v1 =	vld.idx.msk [tilespmem:v0+s26+$0xFFFFFF60 ss:$0x1], $0xffff;
	_ =	sdelay $0x7  }
0x7f: {  	v1 =	vld.idx.msk [tilespmem:v1+s4+$0x0], $0xffff;
	_ =	sdelay $0x4  }
0x80: {  	[tilespmem:s25+$0xFFFFFE60] =	vst v1  }
0x81: {  	v1 =	vld.idx.msk [tilespmem:v0+s26+$0xFFFFFF70 ss:$0x1], $0xffff;
	_ =	sdelay $0x7  }
0x82: {  	v1 =	vld.idx.msk [tilespmem:v1+s4+$0x0], $0xffff;
	_ =	sdelay $0x4  }
0x83: {  	[tilespmem:s25+$0xFFFFFE70] =	vst v1  }
0x84: {  	v1 =	vld.idx.msk [tilespmem:v0+s26+$0x0 ss:$0x1], $0xffff;
	_ =	sdelay $0x7  }
0x85: {  	v1 =	vld.idx.msk [tilespmem:v1+s4+$0x0], $0xffff;
	_ =	sdelay $0x4  }
0x86: {  	[tilespmem:s25+$0x0] =	vst v1  }
0x87: {  	v1 =	vld.idx.msk [tilespmem:v0+s26+$0x10 ss:$0x1], $0xffff;
	_ =	sdelay $0x7  }
0x88: {  	v1 =	vld.idx.msk [tilespmem:v1+s4+$0x0], $0xffff;
	_ =	sdelay $0x4  }
0x89: {  	[tilespmem:s25+$0x10] =	vst v1  }
0x8a: {  	v1 =	vld.idx.msk [tilespmem:v0+s26+$0x20 ss:$0x1], $0xffff;
	_ =	sdelay $0x7  }
0x8b: {  	v1 =	vld.idx.msk [tilespmem:v1+s4+$0x0], $0xffff;
	_ =	sdelay $0x4  }
0x8c: {  	[tilespmem:s25+$0x20] =	vst v1  }
0x8d: {  	v1 =	vld.idx.msk [tilespmem:v0+s26+$0x30 ss:$0x1], $0xffff;
	_ =	sdelay $0x7  }
0x8e: {  	v1 =	vld.idx.msk [tilespmem:v1+s4+$0x0], $0xffff;
	_ =	sdelay $0x4  }
0x8f: {  	[tilespmem:s25+$0x30] =	vst v1  }
0x90: {  	v1 =	vld.idx.msk [tilespmem:v0+s26+$0x40 ss:$0x1], $0xffff;
	_ =	sdelay $0x7  }
0x91: {  	v1 =	vld.idx.msk [tilespmem:v1+s4+$0x0], $0xffff;
	_ =	sdelay $0x4  }
0x92: {  	[tilespmem:s25+$0x40] =	vst v1  }
0x93: {  	v1 =	vld.idx.msk [tilespmem:v0+s26+$0x50 ss:$0x1], $0xffff;
	_ =	sdelay $0x7  }
0x94: {  	v1 =	vld.idx.msk [tilespmem:v1+s4+$0x0], $0xffff;
	_ =	sdelay $0x4  }
0x95: {  	[tilespmem:s25+$0x50] =	vst v1  }
0x96: {  	v1 =	vld.idx.msk [tilespmem:v0+s26+$0x60 ss:$0x1], $0xffff;
	_ =	sdelay $0x7  }
0x97: {  	v1 =	vld.idx.msk [tilespmem:v1+s4+$0x0], $0xffff;
	_ =	sdelay $0x4  }
0x98: {  	[tilespmem:s25+$0x60] =	vst v1  }
0x99: {  	v1 =	vld.idx.msk [tilespmem:v0+s26+$0x70 ss:$0x1], $0xffff;
	_ =	sdelay $0x7  }
0x9a: {  	p0 =	sne.s32 s24, $0x7800;
	v1 =	vld.idx.msk [tilespmem:v1+s4+$0x0], $0xffff  }
.Ltmp3:
0x9b: {  	_ = 	snop;
	(pc) =	sbr.rel @p0 .LBB2_9-.Ltmp3, $2  }
0x9c: {  	_ =	sdelay $0x2  }
0x9d: {  	s24 =	sadd.s32 $0x800, s24;
	[tilespmem:s25+$0x70] =	vst v1;
	s25 =	sadd.s32 $0x400, s25  }
0x9e: {  	s25 =	sadd.s32 $0x20, s23;
	s24 =	simm.s32 $0x0  }
0x9f: {  	[tilespmem:s24], [sflag:$0x1] =	stream.strided.gather [hbm4b:s25+s13], $0x18700, s14, s13, $0x38;
	[tilespmem:$0x1E700] =	vst v63  }
0xa0: {  	_ =	swait.ge [sflag:s12], $0x18700  }
0xa1: {  	[sflag:s12] =	ssyncset.done $0x0  }
0xa2: {  	s25 =	simm.s32 $0x1AA00;
	[sflag:s12] =	ssyncadd.s32 $0xFFFE7900  }
.LBB2_11:
0xa3: {  	s26 =	sshra.s32 s24, $0x2  }
0xa4: {  	v1 =	vld.idx.msk [tilespmem:v0+s26+$0xFFFFFF00 ss:$0x1], $0xffff;
	_ =	sdelay $0x7  }
0xa5: {  	v1 =	vld.idx.msk [tilespmem:v1+s4+$0x0], $0xffff;
	_ =	sdelay $0x4  }
0xa6: {  	[tilespmem:s25+$0xFFFFFE00] =	vst v1  }
0xa7: {  	v1 =	vld.idx.msk [tilespmem:v0+s26+$0xFFFFFF10 ss:$0x1], $0xffff;
	_ =	sdelay $0x7  }
0xa8: {  	v1 =	vld.idx.msk [tilespmem:v1+s4+$0x0], $0xffff;
	_ =	sdelay $0x4  }
0xa9: {  	[tilespmem:s25+$0xFFFFFE10] =	vst v1  }
0xaa: {  	v1 =	vld.idx.msk [tilespmem:v0+s26+$0xFFFFFF20 ss:$0x1], $0xffff;
	_ =	sdelay $0x7  }
0xab: {  	v1 =	vld.idx.msk [tilespmem:v1+s4+$0x0], $0xffff;
	_ =	sdelay $0x4  }
0xac: {  	[tilespmem:s25+$0xFFFFFE20] =	vst v1  }
0xad: {  	v1 =	vld.idx.msk [tilespmem:v0+s26+$0xFFFFFF30 ss:$0x1], $0xffff;
	_ =	sdelay $0x7  }
0xae: {  	v1 =	vld.idx.msk [tilespmem:v1+s4+$0x0], $0xffff;
	_ =	sdelay $0x4  }
0xaf: {  	[tilespmem:s25+$0xFFFFFE30] =	vst v1  }
0xb0: {  	v1 =	vld.idx.msk [tilespmem:v0+s26+$0xFFFFFF40 ss:$0x1], $0xffff;
	_ =	sdelay $0x7  }
0xb1: {  	v1 =	vld.idx.msk [tilespmem:v1+s4+$0x0], $0xffff;
	_ =	sdelay $0x4  }
0xb2: {  	[tilespmem:s25+$0xFFFFFE40] =	vst v1  }
0xb3: {  	v1 =	vld.idx.msk [tilespmem:v0+s26+$0xFFFFFF50 ss:$0x1], $0xffff;
	_ =	sdelay $0x7  }
0xb4: {  	v1 =	vld.idx.msk [tilespmem:v1+s4+$0x0], $0xffff;
	_ =	sdelay $0x4  }
0xb5: {  	[tilespmem:s25+$0xFFFFFE50] =	vst v1  }
0xb6: {  	v1 =	vld.idx.msk [tilespmem:v0+s26+$0xFFFFFF60 ss:$0x1], $0xffff;
	_ =	sdelay $0x7  }
0xb7: {  	v1 =	vld.idx.msk [tilespmem:v1+s4+$0x0], $0xffff;
	_ =	sdelay $0x4  }
0xb8: {  	[tilespmem:s25+$0xFFFFFE60] =	vst v1  }
0xb9: {  	v1 =	vld.idx.msk [tilespmem:v0+s26+$0xFFFFFF70 ss:$0x1], $0xffff;
	_ =	sdelay $0x7  }
0xba: {  	v1 =	vld.idx.msk [tilespmem:v1+s4+$0x0], $0xffff;
	_ =	sdelay $0x4  }
0xbb: {  	[tilespmem:s25+$0xFFFFFE70] =	vst v1  }
0xbc: {  	v1 =	vld.idx.msk [tilespmem:v0+s26+$0x0 ss:$0x1], $0xffff;
	_ =	sdelay $0x7  }
0xbd: {  	v1 =	vld.idx.msk [tilespmem:v1+s4+$0x0], $0xffff;
	_ =	sdelay $0x4  }
0xbe: {  	[tilespmem:s25+$0x0] =	vst v1  }
0xbf: {  	v1 =	vld.idx.msk [tilespmem:v0+s26+$0x10 ss:$0x1], $0xffff;
	_ =	sdelay $0x7  }
0xc0: {  	v1 =	vld.idx.msk [tilespmem:v1+s4+$0x0], $0xffff;
	_ =	sdelay $0x4  }
0xc1: {  	[tilespmem:s25+$0x10] =	vst v1  }
0xc2: {  	v1 =	vld.idx.msk [tilespmem:v0+s26+$0x20 ss:$0x1], $0xffff;
	_ =	sdelay $0x7  }
0xc3: {  	v1 =	vld.idx.msk [tilespmem:v1+s4+$0x0], $0xffff;
	_ =	sdelay $0x4  }
0xc4: {  	[tilespmem:s25+$0x20] =	vst v1  }
0xc5: {  	v1 =	vld.idx.msk [tilespmem:v0+s26+$0x30 ss:$0x1], $0xffff;
	_ =	sdelay $0x7  }
0xc6: {  	v1 =	vld.idx.msk [tilespmem:v1+s4+$0x0], $0xffff;
	_ =	sdelay $0x4  }
0xc7: {  	[tilespmem:s25+$0x30] =	vst v1  }
0xc8: {  	v1 =	vld.idx.msk [tilespmem:v0+s26+$0x40 ss:$0x1], $0xffff;
	_ =	sdelay $0x7  }
0xc9: {  	v1 =	vld.idx.msk [tilespmem:v1+s4+$0x0], $0xffff;
	_ =	sdelay $0x4  }
0xca: {  	[tilespmem:s25+$0x40] =	vst v1  }
0xcb: {  	v1 =	vld.idx.msk [tilespmem:v0+s26+$0x50 ss:$0x1], $0xffff;
	_ =	sdelay $0x7  }
0xcc: {  	v1 =	vld.idx.msk [tilespmem:v1+s4+$0x0], $0xffff;
	_ =	sdelay $0x4  }
0xcd: {  	[tilespmem:s25+$0x50] =	vst v1  }
0xce: {  	v1 =	vld.idx.msk [tilespmem:v0+s26+$0x60 ss:$0x1], $0xffff;
	_ =	sdelay $0x7  }
0xcf: {  	v1 =	vld.idx.msk [tilespmem:v1+s4+$0x0], $0xffff;
	_ =	sdelay $0x4  }
0xd0: {  	[tilespmem:s25+$0x60] =	vst v1  }
0xd1: {  	v1 =	vld.idx.msk [tilespmem:v0+s26+$0x70 ss:$0x1], $0xffff;
	_ =	sdelay $0x7  }
0xd2: {  	p0 =	sne.s32 s24, $0x7800;
	v1 =	vld.idx.msk [tilespmem:v1+s4+$0x0], $0xffff  }
.Ltmp4:
0xd3: {  	_ = 	snop;
	(pc) =	sbr.rel @p0 .LBB2_11-.Ltmp4, $2  }
0xd4: {  	_ =	sdelay $0x2  }
0xd5: {  	s24 =	sadd.s32 $0x800, s24;
	[tilespmem:s25+$0x70] =	vst v1;
	s25 =	sadd.s32 $0x400, s25  }
0xd6: {  	s24 =	sadd.s32 $0x30, s23;
	s23 =	simm.s32 $0x0  }
0xd7: {  	[tilespmem:s23], [sflag:$0x1] =	stream.strided.gather [hbm4b:s24+s13], $0x18700, s14, s13, $0x38;
	[tilespmem:$0x1E700] =	vst v63  }
0xd8: {  	_ =	swait.ge [sflag:s12], $0x18700  }
0xd9: {  	[sflag:s12] =	ssyncset.done $0x0  }
0xda: {  	s24 =	simm.s32 $0x1AA80;
	[sflag:s12] =	ssyncadd.s32 $0xFFFE7900  }
.LBB2_13:
0xdb: {  	s25 =	sshra.s32 s23, $0x2  }
0xdc: {  	v1 =	vld.idx.msk [tilespmem:v0+s25+$0xFFFFFF00 ss:$0x1], $0xffff;
	_ =	sdelay $0x7  }
0xdd: {  	v1 =	vld.idx.msk [tilespmem:v1+s4+$0x0], $0xffff;
	_ =	sdelay $0x4  }
0xde: {  	[tilespmem:s24+$0xFFFFFE00] =	vst v1  }
0xdf: {  	v1 =	vld.idx.msk [tilespmem:v0+s25+$0xFFFFFF10 ss:$0x1], $0xffff;
	_ =	sdelay $0x7  }
0xe0: {  	v1 =	vld.idx.msk [tilespmem:v1+s4+$0x0], $0xffff;
	_ =	sdelay $0x4  }
0xe1: {  	[tilespmem:s24+$0xFFFFFE10] =	vst v1  }
0xe2: {  	v1 =	vld.idx.msk [tilespmem:v0+s25+$0xFFFFFF20 ss:$0x1], $0xffff;
	_ =	sdelay $0x7  }
0xe3: {  	v1 =	vld.idx.msk [tilespmem:v1+s4+$0x0], $0xffff;
	_ =	sdelay $0x4  }
0xe4: {  	[tilespmem:s24+$0xFFFFFE20] =	vst v1  }
0xe5: {  	v1 =	vld.idx.msk [tilespmem:v0+s25+$0xFFFFFF30 ss:$0x1], $0xffff;
	_ =	sdelay $0x7  }
0xe6: {  	v1 =	vld.idx.msk [tilespmem:v1+s4+$0x0], $0xffff;
	_ =	sdelay $0x4  }
0xe7: {  	[tilespmem:s24+$0xFFFFFE30] =	vst v1  }
0xe8: {  	v1 =	vld.idx.msk [tilespmem:v0+s25+$0xFFFFFF40 ss:$0x1], $0xffff;
	_ =	sdelay $0x7  }
0xe9: {  	v1 =	vld.idx.msk [tilespmem:v1+s4+$0x0], $0xffff;
	_ =	sdelay $0x4  }
0xea: {  	[tilespmem:s24+$0xFFFFFE40] =	vst v1  }
0xeb: {  	v1 =	vld.idx.msk [tilespmem:v0+s25+$0xFFFFFF50 ss:$0x1], $0xffff;
	_ =	sdelay $0x7  }
0xec: {  	v1 =	vld.idx.msk [tilespmem:v1+s4+$0x0], $0xffff;
	_ =	sdelay $0x4  }
0xed: {  	[tilespmem:s24+$0xFFFFFE50] =	vst v1  }
0xee: {  	v1 =	vld.idx.msk [tilespmem:v0+s25+$0xFFFFFF60 ss:$0x1], $0xffff;
	_ =	sdelay $0x7  }
0xef: {  	v1 =	vld.idx.msk [tilespmem:v1+s4+$0x0], $0xffff;
	_ =	sdelay $0x4  }
0xf0: {  	[tilespmem:s24+$0xFFFFFE60] =	vst v1  }
0xf1: {  	v1 =	vld.idx.msk [tilespmem:v0+s25+$0xFFFFFF70 ss:$0x1], $0xffff;
	_ =	sdelay $0x7  }
0xf2: {  	v1 =	vld.idx.msk [tilespmem:v1+s4+$0x0], $0xffff;
	_ =	sdelay $0x4  }
0xf3: {  	[tilespmem:s24+$0xFFFFFE70] =	vst v1  }
0xf4: {  	v1 =	vld.idx.msk [tilespmem:v0+s25+$0x0 ss:$0x1], $0xffff;
	_ =	sdelay $0x7  }
0xf5: {  	v1 =	vld.idx.msk [tilespmem:v1+s4+$0x0], $0xffff;
	_ =	sdelay $0x4  }
0xf6: {  	[tilespmem:s24+$0x0] =	vst v1  }
0xf7: {  	v1 =	vld.idx.msk [tilespmem:v0+s25+$0x10 ss:$0x1], $0xffff;
	_ =	sdelay $0x7  }
0xf8: {  	v1 =	vld.idx.msk [tilespmem:v1+s4+$0x0], $0xffff;
	_ =	sdelay $0x4  }
0xf9: {  	[tilespmem:s24+$0x10] =	vst v1  }
0xfa: {  	v1 =	vld.idx.msk [tilespmem:v0+s25+$0x20 ss:$0x1], $0xffff;
	_ =	sdelay $0x7  }
0xfb: {  	v1 =	vld.idx.msk [tilespmem:v1+s4+$0x0], $0xffff;
	_ =	sdelay $0x4  }
0xfc: {  	[tilespmem:s24+$0x20] =	vst v1  }
0xfd: {  	v1 =	vld.idx.msk [tilespmem:v0+s25+$0x30 ss:$0x1], $0xffff;
	_ =	sdelay $0x7  }
0xfe: {  	v1 =	vld.idx.msk [tilespmem:v1+s4+$0x0], $0xffff;
	_ =	sdelay $0x4  }
0xff: {  	[tilespmem:s24+$0x30] =	vst v1  }
0x100: {  	v1 =	vld.idx.msk [tilespmem:v0+s25+$0x40 ss:$0x1], $0xffff;
	_ =	sdelay $0x7  }
0x101: {  	v1 =	vld.idx.msk [tilespmem:v1+s4+$0x0], $0xffff;
	_ =	sdelay $0x4  }
0x102: {  	[tilespmem:s24+$0x40] =	vst v1  }
0x103: {  	v1 =	vld.idx.msk [tilespmem:v0+s25+$0x50 ss:$0x1], $0xffff;
	_ =	sdelay $0x7  }
0x104: {  	v1 =	vld.idx.msk [tilespmem:v1+s4+$0x0], $0xffff;
	_ =	sdelay $0x4  }
0x105: {  	[tilespmem:s24+$0x50] =	vst v1  }
0x106: {  	v1 =	vld.idx.msk [tilespmem:v0+s25+$0x60 ss:$0x1], $0xffff;
	_ =	sdelay $0x7  }
0x107: {  	v1 =	vld.idx.msk [tilespmem:v1+s4+$0x0], $0xffff;
	_ =	sdelay $0x4  }
0x108: {  	[tilespmem:s24+$0x60] =	vst v1  }
0x109: {  	v1 =	vld.idx.msk [tilespmem:v0+s25+$0x70 ss:$0x1], $0xffff;
	_ =	sdelay $0x7  }
0x10a: {  	p0 =	sne.s32 s23, $0x7800;
	v1 =	vld.idx.msk [tilespmem:v1+s4+$0x0], $0xffff  }
.Ltmp5:
0x10b: {  	_ = 	snop;
	(pc) =	sbr.rel @p0 .LBB2_13-.Ltmp5, $2  }
0x10c: {  	_ =	sdelay $0x2  }
0x10d: {  	s23 =	sadd.s32 $0x800, s23;
	[tilespmem:s24+$0x70] =	vst v1;
	s24 =	sadd.s32 $0x400, s24  }
0x10e: {  	s21 =	sshll.u32 s21, $0xF  }
0x10f: {  	s20 =	sadd.s32 $0x1, s20;
	s21 =	sor.u32 s22, s21  }
0x110: {  	p0 =	sne.s32 s20, $0xD;
	s21 =	sshrl.u32 s21, $0x3  }
.Ltmp6:
0x111: {  	s21 =	sadd.s32 s3, s21;
	(pc) =	sbr.rel @p0 .LBB2_6-.Ltmp6, $4  }
0x112: {  	[hbm4b:s21+s15] =	stream.strided.scatter [tilespmem:s16], [sflag:$0x1], $0x4000, s14, s15, $0x38;
	[tilespmem:$0x1E700] =	vst v63  }
0x113: {  	_ =	swait.ge [sflag:s12], $0x4000  }
0x114: {  	[sflag:s12] =	ssyncset.done $0x0  }
0x115: {  	s19 =	sadd.s32 $0x4, s19;
	[sflag:s12] =	ssyncadd.s32 $0xFFFFC000  }
0x116: {  	s17 =	sadd.s32 $0x1, s17  }
0x117: {  	p0 =	sne.s32 s17, s9  }
.Ltmp7:
0x118: {  	_ = 	snop;
	(pc) =	sbr.rel @p0 .LBB2_1-.Ltmp7, $1  }
0x119: {  	_ =	sdelay $0x3  }
0x11a: {  	_ =	sfence.sel $0x180000  }
0x11b: {  	[bflag:$0x0] =	sbarrier.arrive $0xFFFF  }
0x11c: {  	p0 =	sne.s32 s0, $0x0;
	_ =	strace $0x90000047  }
0x11d: {  	s0 =	sadd.s32 @!p0 $0x100000, s1;
	[bflag:$0x2] =	sbarrier.arrive $0xFFFF  }
0x11e: {  	[sflag:s0] =	ssyncadd.tile.s32 @!p0 $0x1;
	_ =	shalt  }
.Lfunc_end2:
_tile_overlayer_lowered:
.L_overlay_start_2:
0x11f: {  	(tag) =	ssettag $0x2  }
0x120: {  	s0 =	rddreg [dreg:$0x0];
	s2 =	stileid.u32  }
0x121: {  	s1 =	rddreg [dreg:$0x1];
	p0 =	sne.s32 s2, $0x0  }
0x122: {  	s3 =	rddreg [dreg:$0x2];
	[bflag:$0x3] =	sbarrier.arrive $0xFFFF;
	s2 =	simm.s32 @!p0 $0x1C01  }
0x123: {  	[timem:s3], [sflag:s2] =	dma.local @!p0 [hbm:s0], s1  }
0x124: {  	s0 =	simm.s32 @!p0 $0x1  }
0x125: {  	_ =	swait.ge @!p0 [sflag:s0], s1  }
0x126: {  	s1 =	ssub.s32 @!p0 $0x0, s1;
	[sflag:s0] =	ssyncset.done @!p0 $0x0  }
0x127: {  	[sflag:s0] =	ssyncadd.s32 @!p0 s1  }
0x128: {  	[bflag:$0x3] =	sbarrier.arrive $0xFFFF  }
0x129: {  	_ =	shalt  }

</sc_bundles>
